<compile_context>
chip_gen: v7x
topology: tpu7x:2x2x1
jax: 0.10.2.dev20260603
libtpu: 0.0.44.dev20260713+nightly
codegen_flags: <defaults>
</compile_context>

<pallas_src>
import functools

import jax
import jax.numpy as jnp
from jax import lax
from jax.experimental import pallas as pl
import jax.experimental.pallas.tpu as pltpu
from jax.experimental.pallas import tpu_sc as plsc

LENGTH = 2048
CHANNEL = 1024
N_SEL = 8
NUM_HEADS = 4
NUM_FREQ = 16
BATCH = 4
CHUNK = CHANNEL // N_SEL

ROWS = 1024


def _sc_selector(selw_hbm, hw_hbm, coeff_hbm,
                 selw_v, hw_v, perm_v, vals_v, out_v):
    info = plsc.get_sparse_core_info()
    nc = info.num_cores
    wid = lax.axis_index("s") * nc + lax.axis_index("c")

    @pl.when(wid < N_SEL)
    def _():
        k = wid

        hw_v[...] = jnp.zeros((NUM_FREQ,), jnp.float32)
        pltpu.sync_copy(hw_hbm, hw_v.at[pl.ds(0, NUM_HEADS)])
        pltpu.sync_copy(selw_hbm, selw_v)

        iota16 = lax.iota(jnp.int32, 16)
        kk = jnp.full((16,), k, jnp.int32)

        hwv = hw_v[...]
        m = iota16 < NUM_HEADS
        hmax = jnp.max(jnp.where(m, hwv, jnp.float32(-1e30)), axis=0)
        he = jnp.where(m, jnp.exp(hwv - hmax), jnp.float32(0.0))
        hw_sm = he / jnp.sum(he, axis=0)

        acc = jnp.zeros((16,), jnp.float32)
        for h in range(NUM_HEADS):
            logits = selw_v[h] * jnp.float32(h + 1)
            mx = jnp.max(logits, axis=0)
            e = jnp.exp(logits - mx)
            nw = e / jnp.sum(e, axis=0)
            vals, perm = plsc.sort_key_val(nw, iota16, descending=True)
            perm_v[...] = perm
            vals_v[...] = vals
            idxsplat = plsc.load_gather(perm_v, [kk])
            vsplat = plsc.load_gather(vals_v, [kk])
            hscal = jnp.sum(jnp.where(iota16 == h, hw_sm, jnp.float32(0.0)),
                            axis=0)
            onehot = jnp.where(iota16 == idxsplat, jnp.float32(1.0),
                               jnp.float32(0.0))
            acc = acc + hscal * vsplat * onehot
        out_v[...] = acc
        pltpu.sync_copy(out_v, coeff_hbm.at[k])


def _selector_coeff(sel_weights, head_weights):
    mesh = plsc.VectorSubcoreMesh(core_axis_name="c", subcore_axis_name="s")
    kfn = functools.partial(
        pl.kernel,
        mesh=mesh,
        out_type=jax.ShapeDtypeStruct((N_SEL, NUM_FREQ), jnp.float32),
        scratch_types=[
            pltpu.VMEM((NUM_HEADS, NUM_FREQ), jnp.float32),
            pltpu.VMEM((NUM_FREQ,), jnp.float32),
            pltpu.VMEM((NUM_FREQ,), jnp.int32),
            pltpu.VMEM((NUM_FREQ,), jnp.float32),
            pltpu.VMEM((NUM_FREQ,), jnp.float32),
        ],
        compiler_params=pltpu.CompilerParams(needs_layout_passes=False),
    )(_sc_selector)
    return kfn(sel_weights, head_weights)


def _reduce_kernel(coeff_ref, x_ref, base_ref, out_ref, w_scratch):
    b = pl.program_id(0)
    kblk = pl.program_id(1)

    @pl.when(jnp.logical_and(b == 0, kblk == 0))
    def _expand_w():
        w_scratch[...] = jnp.dot(coeff_ref[...], base_ref[...],
                                 preferred_element_type=jnp.float32)

    for j in range(ROWS // CHUNK):
        wrow = w_scratch[kblk * (ROWS // CHUNK) + j, :]
        xsub = x_ref[0, pl.ds(j * CHUNK, CHUNK), :]
        out_ref[0, 0, 0, pl.ds(j * CHUNK, CHUNK)] = jnp.sum(
            xsub * wrow[None, :], axis=1)


@jax.jit
def kernel(x, sel_weights, head_weights, base_weight):
    coeff = _selector_coeff(sel_weights, head_weights)
    out = pl.pallas_call(
        _reduce_kernel,
        grid=(BATCH, CHANNEL // ROWS),
        in_specs=[
            pl.BlockSpec((N_SEL, NUM_FREQ), lambda b, k: (0, 0)),
            pl.BlockSpec((1, ROWS, LENGTH), lambda b, k: (b, k, 0)),
            pl.BlockSpec((NUM_FREQ, LENGTH), lambda b, k: (0, 0)),
        ],
        out_specs=pl.BlockSpec((1, 1, 1, ROWS), lambda b, k: (b, k, 0, 0)),
        out_shape=jax.ShapeDtypeStruct((BATCH, CHANNEL // ROWS, 1, ROWS),
                                       jnp.float32),
        scratch_shapes=[pltpu.VMEM((N_SEL, LENGTH), jnp.float32)],
    )(coeff, x, base_weight)
    return out.reshape(BATCH, CHANNEL)

# --- scband reference (transcript-rebuilt; emitter-appended) ---
"""Pipeline reference for scband-multi-spectral-dctlayer-86792699117697 (READ-ONLY COPY).

The authoritative reference and input builder live on the scoring server;
editing this copy changes nothing except your own understanding.
"""

import jax, jax.numpy as jnp
import numpy as np
import math

LENGTH = 2048
CHANNEL = 1024
N_SEL = 8
NUM_HEADS = 4
MAPPER = list(range(16))
NUM_FREQ = len(MAPPER)
BATCH = 4


def _dct_filter():
    t = np.arange(LENGTH, dtype=np.float64)
    filt = np.zeros((NUM_FREQ, LENGTH), dtype=np.float64)
    for i, u in enumerate(MAPPER):
        f = np.cos(np.pi * u * (t + 0.5) / LENGTH) / np.sqrt(LENGTH)
        if u != 0:
            f = f * np.sqrt(2.0)
        filt[i] = f
    return jnp.asarray(filt, dtype=jnp.float32)


def setup_inputs(seed: int = 0) -> dict:
    key = jax.random.key(seed)
    ks = jax.random.split(key, 2 + NUM_HEADS)
    x = jax.random.normal(ks[0], (BATCH, CHANNEL, LENGTH), dtype=jnp.float32)
    # xavier_uniform on shape (1, num_freq): bound = sqrt(6 / (1 + num_freq)), plus 0.01*randn jitter
    bound = math.sqrt(6.0 / (1 + NUM_FREQ))
    sel_list = []
    for h in range(NUM_HEADS):
        w = jax.random.uniform(ks[1 + h], (NUM_FREQ,), minval=-bound, maxval=bound, dtype=jnp.float32)
        w = w + 0.01 * jax.random.normal(jax.random.fold_in(ks[1 + h], 1), (NUM_FREQ,), dtype=jnp.float32)
        sel_list.append(w)
    sel_weights = jnp.stack(sel_list, axis=0)  # [NUM_HEADS, NUM_FREQ]
    head_weights = jnp.ones((NUM_HEADS,), dtype=jnp.float32) / NUM_HEADS
    base_weight = _dct_filter()  # [NUM_FREQ, LENGTH], non-trainable buffer
    return {"x": x, "sel_weights": sel_weights, "head_weights": head_weights, "base_weight": base_weight}


def _selector(weights, tau, filters):
    # FilterSelector.forward
    nw = jax.nn.softmax(weights / tau, axis=0)           # [NUM_FREQ]
    _, top_idx = jax.lax.top_k(nw, N_SEL)                # [N_SEL]
    selected_filters = filters[top_idx]                  # [N_SEL, LENGTH] gather
    selected_w = nw[top_idx]                             # [N_SEL] gather
    weighted = selected_filters * selected_w[:, None]    # [N_SEL, LENGTH]
    chunk = CHANNEL // N_SEL
    cidx = jnp.minimum(jnp.arange(CHANNEL) // chunk, N_SEL - 1)  # last chunk absorbs remainder
    weight_filter = weighted[cidx]                       # [CHANNEL, LENGTH]
    return weight_filter


def reference(x, sel_weights, head_weights, base_weight):
    ws = []
    for h in range(NUM_HEADS):
        tau = 1.0 / (h + 1)
        ws.append(_selector(sel_weights[h], tau, base_weight))
    sw = jnp.stack(ws, axis=0)                           # [NUM_HEADS, CHANNEL, LENGTH]
    hw = jax.nn.softmax(head_weights, axis=0)
    selected_weight = (sw * hw[:, None, None]).sum(axis=0)  # [CHANNEL, LENGTH]
    out = (x * selected_weight[None, :, :]).sum(axis=2)  # [BATCH, CHANNEL]
    return out

if __name__ == "__main__":
    import jax
    _d = setup_inputs()
    print(jax.jit(kernel)(*tuple(_d.values())))

</pallas_src>

<mosaic_0001>
#map = affine_map<(d0, d1) -> (0, 0)>
#map1 = affine_map<(d0, d1) -> (0)>
module attributes {stable_mosaic.version = 14 : i64} {
  func.func @_sc_selector(%arg0: i32, %arg1: i32, %arg2: memref<4x16xf32, #tpu.memory_space<hbm>>, %arg3: memref<4xf32, #tpu.memory_space<hbm>>, %arg4: memref<8x16xf32, #tpu.memory_space<hbm>>, %arg5: memref<4x16xf32, #tpu.memory_space<vmem>>, %arg6: memref<16xf32, #tpu.memory_space<vmem>>, %arg7: memref<16xi32, #tpu.memory_space<vmem>>, %arg8: memref<16xf32, #tpu.memory_space<vmem>>, %arg9: memref<16xf32, #tpu.memory_space<vmem>>) attributes {dimension_semantics = [#tpu.dimension_semantics<core_parallel>, #tpu.dimension_semantics<subcore_parallel>], iteration_bounds = array<i64: 2, 16>, scalar_prefetch = 0 : i64, scratch_operands = 5 : i64, tpu.core_type = #tpu.core_type<sc_vector_subcore>, window_params = [{transform_indices = #map}, {transform_indices = #map1}, {transform_indices = #map}]} {
    %mul3A = arith.constant 2 : i32
    %mul3A_0 = arith.muli %arg1, %mul3A : i32
    %add3A = arith.addi %mul3A_0, %arg0 : i32
    %lt3A = arith.constant 8 : i32
    %lt3A_1 = arith.cmpi slt, %add3A, %lt3A : i32
    %convert_element_type3A = arith.extui %lt3A_1 : i1 to i32
    %cond3A = arith.constant 0 : i32
    %cond3A_2 = arith.cmpi ne, %convert_element_type3A, %cond3A : i32
    scf.if %cond3A_2 {
      %broadcast_in_dim3A = arith.constant 0.000000e+00 : f32
      %broadcast_in_dim3A_3 = vector.broadcast %broadcast_in_dim3A : f32 to vector<16xf32>
      %swap3A = arith.constant 0 : index
      %swap3A_4 = tpu.vector_load %arg6[%swap3A] {strides = array<i32>} : memref<16xf32, #tpu.memory_space<vmem>>, vector<16xf32>,
      tpu.vector_store %arg6[%swap3A], %broadcast_in_dim3A_3 {strides = array<i32>} : memref<16xf32, #tpu.memory_space<vmem>>, vector<16xf32>,
      "tpu.region"() ({
        %run_scoped3A = tpu.sem_alloc : memref<!tpu.dma_semaphore, #tpu.memory_space<semaphore_mem>>
        %dma_start3A = arith.constant 0 : i32
        %dma_start3A_223 = tpu.memref_slice %arg6[%dma_start3A] : memref<16xf32, #tpu.memory_space<vmem>> -> memref<4xf32, #tpu.memory_space<vmem>>
        %dma_start3A_224 = arith.constant 0 : i32
        %dma_start3A_225 = tpu.memref_slice %arg6[%dma_start3A_224] : memref<16xf32, #tpu.memory_space<vmem>> -> memref<4xf32, #tpu.memory_space<vmem>>
        tpu.enqueue_dma source(%arg3 : memref<4xf32, #tpu.memory_space<hbm>>) target(%dma_start3A_225 : memref<4xf32, #tpu.memory_space<vmem>>) target_semaphore(%run_scoped3A : memref<!tpu.dma_semaphore, #tpu.memory_space<semaphore_mem>>)
        %dma_wait3A = arith.constant 0 : i32
        %dma_wait3A_226 = tpu.memref_slice %arg6[%dma_wait3A] : memref<16xf32, #tpu.memory_space<vmem>> -> memref<4xf32, #tpu.memory_space<vmem>>
        %dma_wait3A_227 = arith.constant 0 : i32
        %dma_wait3A_228 = tpu.memref_slice %arg6[%dma_wait3A_227] : memref<16xf32, #tpu.memory_space<vmem>> -> memref<4xf32, #tpu.memory_space<vmem>>
        tpu.wait_dma2 semaphore(%run_scoped3A : memref<!tpu.dma_semaphore, #tpu.memory_space<semaphore_mem>>) src(%arg3 : memref<4xf32, #tpu.memory_space<hbm>>) dst(%dma_wait3A_228 : memref<4xf32, #tpu.memory_space<vmem>>)
        tpu.yield
      }) : () -> ()
      "tpu.region"() ({
        %run_scoped3A = tpu.sem_alloc : memref<!tpu.dma_semaphore, #tpu.memory_space<semaphore_mem>>
        tpu.enqueue_dma source(%arg2 : memref<4x16xf32, #tpu.memory_space<hbm>>) target(%arg5 : memref<4x16xf32, #tpu.memory_space<vmem>>) target_semaphore(%run_scoped3A : memref<!tpu.dma_semaphore, #tpu.memory_space<semaphore_mem>>)
        tpu.wait_dma2 semaphore(%run_scoped3A : memref<!tpu.dma_semaphore, #tpu.memory_space<semaphore_mem>>) src(%arg2 : memref<4x16xf32, #tpu.memory_space<hbm>>) dst(%arg5 : memref<4x16xf32, #tpu.memory_space<vmem>>)
        tpu.yield
      }) : () -> ()
      %iota3A = tpu.iota {dimensions = array<i32: 0>} : vector<16xi32>
      %broadcast_in_dim3A_5 = vector.broadcast %add3A : i32 to vector<16xi32>
      %get3A = arith.constant 0 : index
      %get3A_6 = tpu.vector_load %arg6[%get3A] {strides = array<i32>} : memref<16xf32, #tpu.memory_space<vmem>>, vector<16xf32>,
      %lt3A_7 = arith.constant 4 : i32
      %lt3A_8 = vector.broadcast %lt3A_7 : i32 to vector<16xi32>
      %lt3A_9 = arith.cmpi slt, %iota3A, %lt3A_8 : vector<16xi32>
      %jit3A = arith.constant -1.000000e+30 : f32
      %broadcast_in_dim3A_10 = vector.broadcast %jit3A : f32 to vector<16xf32>
      %select_n3A = arith.select %lt3A_9, %get3A_6, %broadcast_in_dim3A_10 : vector<16xi1>, vector<16xf32>
      %reduce_max3A = arith.constant true
      %reduce_max3A_11 = vector.broadcast %reduce_max3A : i1 to vector<16xi1>
      %reduce_max3A_12 = tpu.scan <max>, %select_n3A masked %reduce_max3A_11 : vector<16xf32>, vector<16xi1> -> vector<16xf32>
      %reduce_max3A_13 = vector.extract %reduce_max3A_12[15] : f32 from vector<16xf32>
      %sub3A = vector.broadcast %reduce_max3A_13 : f32 to vector<16xf32>
      %sub3A_14 = arith.subf %get3A_6, %sub3A : vector<16xf32>
      %exp3A = math.exp %sub3A_14 : vector<16xf32>
      %jit3A_15 = arith.constant 0.000000e+00 : f32
      %broadcast_in_dim3A_16 = vector.broadcast %jit3A_15 : f32 to vector<16xf32>
      %select_n3A_17 = arith.select %lt3A_9, %exp3A, %broadcast_in_dim3A_16 : vector<16xi1>, vector<16xf32>
      %reduce_sum3A = arith.constant true
      %reduce_sum3A_18 = vector.broadcast %reduce_sum3A : i1 to vector<16xi1>
      %reduce_sum3A_19 = tpu.scan <sum>, %select_n3A_17 masked %reduce_sum3A_18 : vector<16xf32>, vector<16xi1> -> vector<16xf32>
      %reduce_sum3A_20 = vector.extract %reduce_sum3A_19[15] : f32 from vector<16xf32>
      %div3A = vector.broadcast %reduce_sum3A_20 : f32 to vector<16xf32>
      %div3A_21 = arith.divf %select_n3A_17, %div3A : vector<16xf32>
      %broadcast_in_dim3A_22 = arith.constant 0.000000e+00 : f32
      %broadcast_in_dim3A_23 = vector.broadcast %broadcast_in_dim3A_22 : f32 to vector<16xf32>
      %get3A_24 = arith.constant 0 : i32
      %get3A_25 = arith.index_cast %get3A_24 : i32 to index
      %get3A_26 = arith.constant 0 : index
      %get3A_27 = tpu.vector_load %arg5[%get3A_25, %get3A_26] {strides = array<i32>} : memref<4x16xf32, #tpu.memory_space<vmem>>, vector<16xf32>,
      %mul3A_28 = arith.constant 1.000000e+00 : f32
      %mul3A_29 = vector.broadcast %mul3A_28 : f32 to vector<16xf32>
      %mul3A_30 = arith.mulf %get3A_27, %mul3A_29 : vector<16xf32>
      %reduce_max3A_31 = arith.constant true
      %reduce_max3A_32 = vector.broadcast %reduce_max3A_31 : i1 to vector<16xi1>
      %reduce_max3A_33 = tpu.scan <max>, %mul3A_30 masked %reduce_max3A_32 : vector<16xf32>, vector<16xi1> -> vector<16xf32>
      %reduce_max3A_34 = vector.extract %reduce_max3A_33[15] : f32 from vector<16xf32>
      %sub3A_35 = vector.broadcast %reduce_max3A_34 : f32 to vector<16xf32>
      %sub3A_36 = arith.subf %mul3A_30, %sub3A_35 : vector<16xf32>
      %exp3A_37 = math.exp %sub3A_36 : vector<16xf32>
      %reduce_sum3A_38 = arith.constant true
      %reduce_sum3A_39 = vector.broadcast %reduce_sum3A_38 : i1 to vector<16xi1>
      %reduce_sum3A_40 = tpu.scan <sum>, %exp3A_37 masked %reduce_sum3A_39 : vector<16xf32>, vector<16xi1> -> vector<16xf32>
      %reduce_sum3A_41 = vector.extract %reduce_sum3A_40[15] : f32 from vector<16xf32>
      %div3A_42 = vector.broadcast %reduce_sum3A_41 : f32 to vector<16xf32>
      %div3A_43 = arith.divf %exp3A_37, %div3A_42 : vector<16xf32>
      %masked_sort3A = arith.constant dense<true> : vector<16xi1>
      %masked_sort3A_44, %masked_sort3A_45, %masked_sort3A_46 = tpu.sort %div3A_43, %iota3A masked %masked_sort3A {descending = true} : (vector<16xf32>, vector<16xi32>, vector<16xi1>) -> (vector<16xi1>, vector<16xf32>, vector<16xi32>)
      %swap3A_47 = arith.constant 0 : index
      %swap3A_48 = tpu.vector_load %arg7[%swap3A_47] {strides = array<i32>} : memref<16xi32, #tpu.memory_space<vmem>>, vector<16xi32>,
      tpu.vector_store %arg7[%swap3A_47], %masked_sort3A_46 {strides = array<i32>} : memref<16xi32, #tpu.memory_space<vmem>>, vector<16xi32>,
      %swap3A_49 = arith.constant 0 : index
      %swap3A_50 = tpu.vector_load %arg8[%swap3A_49] {strides = array<i32>} : memref<16xf32, #tpu.memory_space<vmem>>, vector<16xf32>,
      tpu.vector_store %arg8[%swap3A_49], %masked_sort3A_45 {strides = array<i32>} : memref<16xf32, #tpu.memory_space<vmem>>, vector<16xf32>,
      %gather3A = tpu.vector_load_idx %arg7[%broadcast_in_dim3A_5] : memref<16xi32, #tpu.memory_space<vmem>>[vector<16xi32>], vector<16xi32>,
      %gather3A_51 = tpu.vector_load_idx %arg8[%broadcast_in_dim3A_5] : memref<16xf32, #tpu.memory_space<vmem>>[vector<16xi32>], vector<16xf32>,
      %eq3A = arith.constant 0 : i32
      %eq3A_52 = vector.broadcast %eq3A : i32 to vector<16xi32>
      %eq3A_53 = arith.cmpi eq, %iota3A, %eq3A_52 : vector<16xi32>
      %jit3A_54 = arith.constant 0.000000e+00 : f32
      %broadcast_in_dim3A_55 = vector.broadcast %jit3A_54 : f32 to vector<16xf32>
      %select_n3A_56 = arith.select %eq3A_53, %div3A_21, %broadcast_in_dim3A_55 : vector<16xi1>, vector<16xf32>
      %reduce_sum3A_57 = arith.constant true
      %reduce_sum3A_58 = vector.broadcast %reduce_sum3A_57 : i1 to vector<16xi1>
      %reduce_sum3A_59 = tpu.scan <sum>, %select_n3A_56 masked %reduce_sum3A_58 : vector<16xf32>, vector<16xi1> -> vector<16xf32>
      %reduce_sum3A_60 = vector.extract %reduce_sum3A_59[15] : f32 from vector<16xf32>
      %eq3A_61 = arith.cmpi eq, %iota3A, %gather3A : vector<16xi32>
      %jit3A_62 = arith.constant 1.000000e+00 : f32
      %jit3A_63 = arith.constant 0.000000e+00 : f32
      %broadcast_in_dim3A_64 = vector.broadcast %jit3A_62 : f32 to vector<16xf32>
      %broadcast_in_dim3A_65 = vector.broadcast %jit3A_63 : f32 to vector<16xf32>
      %select_n3A_66 = arith.select %eq3A_61, %broadcast_in_dim3A_64, %broadcast_in_dim3A_65 : vector<16xi1>, vector<16xf32>
      %mul3A_67 = vector.broadcast %reduce_sum3A_60 : f32 to vector<16xf32>
      %mul3A_68 = arith.mulf %mul3A_67, %gather3A_51 : vector<16xf32>
      %mul3A_69 = arith.mulf %mul3A_68, %select_n3A_66 : vector<16xf32>
      %add3A_70 = arith.addf %broadcast_in_dim3A_23, %mul3A_69 : vector<16xf32>
      %get3A_71 = arith.constant 1 : i32
      %get3A_72 = arith.index_cast %get3A_71 : i32 to index
      %get3A_73 = arith.constant 0 : index
      %get3A_74 = tpu.vector_load %arg5[%get3A_72, %get3A_73] {strides = array<i32>} : memref<4x16xf32, #tpu.memory_space<vmem>>, vector<16xf32>,
      %mul3A_75 = arith.constant 2.000000e+00 : f32
      %mul3A_76 = vector.broadcast %mul3A_75 : f32 to vector<16xf32>
      %mul3A_77 = arith.mulf %get3A_74, %mul3A_76 : vector<16xf32>
      %reduce_max3A_78 = arith.constant true
      %reduce_max3A_79 = vector.broadcast %reduce_max3A_78 : i1 to vector<16xi1>
      %reduce_max3A_80 = tpu.scan <max>, %mul3A_77 masked %reduce_max3A_79 : vector<16xf32>, vector<16xi1> -> vector<16xf32>
      %reduce_max3A_81 = vector.extract %reduce_max3A_80[15] : f32 from vector<16xf32>
      %sub3A_82 = vector.broadcast %reduce_max3A_81 : f32 to vector<16xf32>
      %sub3A_83 = arith.subf %mul3A_77, %sub3A_82 : vector<16xf32>
      %exp3A_84 = math.exp %sub3A_83 : vector<16xf32>
      %reduce_sum3A_85 = arith.constant true
      %reduce_sum3A_86 = vector.broadcast %reduce_sum3A_85 : i1 to vector<16xi1>
      %reduce_sum3A_87 = tpu.scan <sum>, %exp3A_84 masked %reduce_sum3A_86 : vector<16xf32>, vector<16xi1> -> vector<16xf32>
      %reduce_sum3A_88 = vector.extract %reduce_sum3A_87[15] : f32 from vector<16xf32>
      %div3A_89 = vector.broadcast %reduce_sum3A_88 : f32 to vector<16xf32>
      %div3A_90 = arith.divf %exp3A_84, %div3A_89 : vector<16xf32>
      %masked_sort3A_91 = arith.constant dense<true> : vector<16xi1>
      %masked_sort3A_92, %masked_sort3A_93, %masked_sort3A_94 = tpu.sort %div3A_90, %iota3A masked %masked_sort3A_91 {descending = true} : (vector<16xf32>, vector<16xi32>, vector<16xi1>) -> (vector<16xi1>, vector<16xf32>, vector<16xi32>)
      %swap3A_95 = arith.constant 0 : index
      %swap3A_96 = tpu.vector_load %arg7[%swap3A_95] {strides = array<i32>} : memref<16xi32, #tpu.memory_space<vmem>>, vector<16xi32>,
      tpu.vector_store %arg7[%swap3A_95], %masked_sort3A_94 {strides = array<i32>} : memref<16xi32, #tpu.memory_space<vmem>>, vector<16xi32>,
      %swap3A_97 = arith.constant 0 : index
      %swap3A_98 = tpu.vector_load %arg8[%swap3A_97] {strides = array<i32>} : memref<16xf32, #tpu.memory_space<vmem>>, vector<16xf32>,
      tpu.vector_store %arg8[%swap3A_97], %masked_sort3A_93 {strides = array<i32>} : memref<16xf32, #tpu.memory_space<vmem>>, vector<16xf32>,
      %gather3A_99 = tpu.vector_load_idx %arg7[%broadcast_in_dim3A_5] : memref<16xi32, #tpu.memory_space<vmem>>[vector<16xi32>], vector<16xi32>,
      %gather3A_100 = tpu.vector_load_idx %arg8[%broadcast_in_dim3A_5] : memref<16xf32, #tpu.memory_space<vmem>>[vector<16xi32>], vector<16xf32>,
      %eq3A_101 = arith.constant 1 : i32
      %eq3A_102 = vector.broadcast %eq3A_101 : i32 to vector<16xi32>
      %eq3A_103 = arith.cmpi eq, %iota3A, %eq3A_102 : vector<16xi32>
      %jit3A_104 = arith.constant 0.000000e+00 : f32
      %broadcast_in_dim3A_105 = vector.broadcast %jit3A_104 : f32 to vector<16xf32>
      %select_n3A_106 = arith.select %eq3A_103, %div3A_21, %broadcast_in_dim3A_105 : vector<16xi1>, vector<16xf32>
      %reduce_sum3A_107 = arith.constant true
      %reduce_sum3A_108 = vector.broadcast %reduce_sum3A_107 : i1 to vector<16xi1>
      %reduce_sum3A_109 = tpu.scan <sum>, %select_n3A_106 masked %reduce_sum3A_108 : vector<16xf32>, vector<16xi1> -> vector<16xf32>
      %reduce_sum3A_110 = vector.extract %reduce_sum3A_109[15] : f32 from vector<16xf32>
      %eq3A_111 = arith.cmpi eq, %iota3A, %gather3A_99 : vector<16xi32>
      %jit3A_112 = arith.constant 1.000000e+00 : f32
      %jit3A_113 = arith.constant 0.000000e+00 : f32
      %broadcast_in_dim3A_114 = vector.broadcast %jit3A_112 : f32 to vector<16xf32>
      %broadcast_in_dim3A_115 = vector.broadcast %jit3A_113 : f32 to vector<16xf32>
      %select_n3A_116 = arith.select %eq3A_111, %broadcast_in_dim3A_114, %broadcast_in_dim3A_115 : vector<16xi1>, vector<16xf32>
      %mul3A_117 = vector.broadcast %reduce_sum3A_110 : f32 to vector<16xf32>
      %mul3A_118 = arith.mulf %mul3A_117, %gather3A_100 : vector<16xf32>
      %mul3A_119 = arith.mulf %mul3A_118, %select_n3A_116 : vector<16xf32>
      %add3A_120 = arith.addf %add3A_70, %mul3A_119 : vector<16xf32>
      %get3A_121 = arith.constant 2 : i32
      %get3A_122 = arith.index_cast %get3A_121 : i32 to index
      %get3A_123 = arith.constant 0 : index
      %get3A_124 = tpu.vector_load %arg5[%get3A_122, %get3A_123] {strides = array<i32>} : memref<4x16xf32, #tpu.memory_space<vmem>>, vector<16xf32>,
      %mul3A_125 = arith.constant 3.000000e+00 : f32
      %mul3A_126 = vector.broadcast %mul3A_125 : f32 to vector<16xf32>
      %mul3A_127 = arith.mulf %get3A_124, %mul3A_126 : vector<16xf32>
      %reduce_max3A_128 = arith.constant true
      %reduce_max3A_129 = vector.broadcast %reduce_max3A_128 : i1 to vector<16xi1>
      %reduce_max3A_130 = tpu.scan <max>, %mul3A_127 masked %reduce_max3A_129 : vector<16xf32>, vector<16xi1> -> vector<16xf32>
      %reduce_max3A_131 = vector.extract %reduce_max3A_130[15] : f32 from vector<16xf32>
      %sub3A_132 = vector.broadcast %reduce_max3A_131 : f32 to vector<16xf32>
      %sub3A_133 = arith.subf %mul3A_127, %sub3A_132 : vector<16xf32>
      %exp3A_134 = math.exp %sub3A_133 : vector<16xf32>
      %reduce_sum3A_135 = arith.constant true
      %reduce_sum3A_136 = vector.broadcast %reduce_sum3A_135 : i1 to vector<16xi1>
      %reduce_sum3A_137 = tpu.scan <sum>, %exp3A_134 masked %reduce_sum3A_136 : vector<16xf32>, vector<16xi1> -> vector<16xf32>
      %reduce_sum3A_138 = vector.extract %reduce_sum3A_137[15] : f32 from vector<16xf32>
      %div3A_139 = vector.broadcast %reduce_sum3A_138 : f32 to vector<16xf32>
      %div3A_140 = arith.divf %exp3A_134, %div3A_139 : vector<16xf32>
      %masked_sort3A_141 = arith.constant dense<true> : vector<16xi1>
      %masked_sort3A_142, %masked_sort3A_143, %masked_sort3A_144 = tpu.sort %div3A_140, %iota3A masked %masked_sort3A_141 {descending = true} : (vector<16xf32>, vector<16xi32>, vector<16xi1>) -> (vector<16xi1>, vector<16xf32>, vector<16xi32>)
      %swap3A_145 = arith.constant 0 : index
      %swap3A_146 = tpu.vector_load %arg7[%swap3A_145] {strides = array<i32>} : memref<16xi32, #tpu.memory_space<vmem>>, vector<16xi32>,
      tpu.vector_store %arg7[%swap3A_145], %masked_sort3A_144 {strides = array<i32>} : memref<16xi32, #tpu.memory_space<vmem>>, vector<16xi32>,
      %swap3A_147 = arith.constant 0 : index
      %swap3A_148 = tpu.vector_load %arg8[%swap3A_147] {strides = array<i32>} : memref<16xf32, #tpu.memory_space<vmem>>, vector<16xf32>,
      tpu.vector_store %arg8[%swap3A_147], %masked_sort3A_143 {strides = array<i32>} : memref<16xf32, #tpu.memory_space<vmem>>, vector<16xf32>,
      %gather3A_149 = tpu.vector_load_idx %arg7[%broadcast_in_dim3A_5] : memref<16xi32, #tpu.memory_space<vmem>>[vector<16xi32>], vector<16xi32>,
      %gather3A_150 = tpu.vector_load_idx %arg8[%broadcast_in_dim3A_5] : memref<16xf32, #tpu.memory_space<vmem>>[vector<16xi32>], vector<16xf32>,
      %eq3A_151 = arith.constant 2 : i32
      %eq3A_152 = vector.broadcast %eq3A_151 : i32 to vector<16xi32>
      %eq3A_153 = arith.cmpi eq, %iota3A, %eq3A_152 : vector<16xi32>
      %jit3A_154 = arith.constant 0.000000e+00 : f32
      %broadcast_in_dim3A_155 = vector.broadcast %jit3A_154 : f32 to vector<16xf32>
      %select_n3A_156 = arith.select %eq3A_153, %div3A_21, %broadcast_in_dim3A_155 : vector<16xi1>, vector<16xf32>
      %reduce_sum3A_157 = arith.constant true
      %reduce_sum3A_158 = vector.broadcast %reduce_sum3A_157 : i1 to vector<16xi1>
      %reduce_sum3A_159 = tpu.scan <sum>, %select_n3A_156 masked %reduce_sum3A_158 : vector<16xf32>, vector<16xi1> -> vector<16xf32>
      %reduce_sum3A_160 = vector.extract %reduce_sum3A_159[15] : f32 from vector<16xf32>
      %eq3A_161 = arith.cmpi eq, %iota3A, %gather3A_149 : vector<16xi32>
      %jit3A_162 = arith.constant 1.000000e+00 : f32
      %jit3A_163 = arith.constant 0.000000e+00 : f32
      %broadcast_in_dim3A_164 = vector.broadcast %jit3A_162 : f32 to vector<16xf32>
      %broadcast_in_dim3A_165 = vector.broadcast %jit3A_163 : f32 to vector<16xf32>
      %select_n3A_166 = arith.select %eq3A_161, %broadcast_in_dim3A_164, %broadcast_in_dim3A_165 : vector<16xi1>, vector<16xf32>
      %mul3A_167 = vector.broadcast %reduce_sum3A_160 : f32 to vector<16xf32>
      %mul3A_168 = arith.mulf %mul3A_167, %gather3A_150 : vector<16xf32>
      %mul3A_169 = arith.mulf %mul3A_168, %select_n3A_166 : vector<16xf32>
      %add3A_170 = arith.addf %add3A_120, %mul3A_169 : vector<16xf32>
      %get3A_171 = arith.constant 3 : i32
      %get3A_172 = arith.index_cast %get3A_171 : i32 to index
      %get3A_173 = arith.constant 0 : index
      %get3A_174 = tpu.vector_load %arg5[%get3A_172, %get3A_173] {strides = array<i32>} : memref<4x16xf32, #tpu.memory_space<vmem>>, vector<16xf32>,
      %mul3A_175 = arith.constant 4.000000e+00 : f32
      %mul3A_176 = vector.broadcast %mul3A_175 : f32 to vector<16xf32>
      %mul3A_177 = arith.mulf %get3A_174, %mul3A_176 : vector<16xf32>
      %reduce_max3A_178 = arith.constant true
      %reduce_max3A_179 = vector.broadcast %reduce_max3A_178 : i1 to vector<16xi1>
      %reduce_max3A_180 = tpu.scan <max>, %mul3A_177 masked %reduce_max3A_179 : vector<16xf32>, vector<16xi1> -> vector<16xf32>
      %reduce_max3A_181 = vector.extract %reduce_max3A_180[15] : f32 from vector<16xf32>
      %sub3A_182 = vector.broadcast %reduce_max3A_181 : f32 to vector<16xf32>
      %sub3A_183 = arith.subf %mul3A_177, %sub3A_182 : vector<16xf32>
      %exp3A_184 = math.exp %sub3A_183 : vector<16xf32>
      %reduce_sum3A_185 = arith.constant true
      %reduce_sum3A_186 = vector.broadcast %reduce_sum3A_185 : i1 to vector<16xi1>
      %reduce_sum3A_187 = tpu.scan <sum>, %exp3A_184 masked %reduce_sum3A_186 : vector<16xf32>, vector<16xi1> -> vector<16xf32>
      %reduce_sum3A_188 = vector.extract %reduce_sum3A_187[15] : f32 from vector<16xf32>
      %div3A_189 = vector.broadcast %reduce_sum3A_188 : f32 to vector<16xf32>
      %div3A_190 = arith.divf %exp3A_184, %div3A_189 : vector<16xf32>
      %masked_sort3A_191 = arith.constant dense<true> : vector<16xi1>
      %masked_sort3A_192, %masked_sort3A_193, %masked_sort3A_194 = tpu.sort %div3A_190, %iota3A masked %masked_sort3A_191 {descending = true} : (vector<16xf32>, vector<16xi32>, vector<16xi1>) -> (vector<16xi1>, vector<16xf32>, vector<16xi32>)
      %swap3A_195 = arith.constant 0 : index
      %swap3A_196 = tpu.vector_load %arg7[%swap3A_195] {strides = array<i32>} : memref<16xi32, #tpu.memory_space<vmem>>, vector<16xi32>,
      tpu.vector_store %arg7[%swap3A_195], %masked_sort3A_194 {strides = array<i32>} : memref<16xi32, #tpu.memory_space<vmem>>, vector<16xi32>,
      %swap3A_197 = arith.constant 0 : index
      %swap3A_198 = tpu.vector_load %arg8[%swap3A_197] {strides = array<i32>} : memref<16xf32, #tpu.memory_space<vmem>>, vector<16xf32>,
      tpu.vector_store %arg8[%swap3A_197], %masked_sort3A_193 {strides = array<i32>} : memref<16xf32, #tpu.memory_space<vmem>>, vector<16xf32>,
      %gather3A_199 = tpu.vector_load_idx %arg7[%broadcast_in_dim3A_5] : memref<16xi32, #tpu.memory_space<vmem>>[vector<16xi32>], vector<16xi32>,
      %gather3A_200 = tpu.vector_load_idx %arg8[%broadcast_in_dim3A_5] : memref<16xf32, #tpu.memory_space<vmem>>[vector<16xi32>], vector<16xf32>,
      %eq3A_201 = arith.constant 3 : i32
      %eq3A_202 = vector.broadcast %eq3A_201 : i32 to vector<16xi32>
      %eq3A_203 = arith.cmpi eq, %iota3A, %eq3A_202 : vector<16xi32>
      %jit3A_204 = arith.constant 0.000000e+00 : f32
      %broadcast_in_dim3A_205 = vector.broadcast %jit3A_204 : f32 to vector<16xf32>
      %select_n3A_206 = arith.select %eq3A_203, %div3A_21, %broadcast_in_dim3A_205 : vector<16xi1>, vector<16xf32>
      %reduce_sum3A_207 = arith.constant true
      %reduce_sum3A_208 = vector.broadcast %reduce_sum3A_207 : i1 to vector<16xi1>
      %reduce_sum3A_209 = tpu.scan <sum>, %select_n3A_206 masked %reduce_sum3A_208 : vector<16xf32>, vector<16xi1> -> vector<16xf32>
      %reduce_sum3A_210 = vector.extract %reduce_sum3A_209[15] : f32 from vector<16xf32>
      %eq3A_211 = arith.cmpi eq, %iota3A, %gather3A_199 : vector<16xi32>
      %jit3A_212 = arith.constant 1.000000e+00 : f32
      %jit3A_213 = arith.constant 0.000000e+00 : f32
      %broadcast_in_dim3A_214 = vector.broadcast %jit3A_212 : f32 to vector<16xf32>
      %broadcast_in_dim3A_215 = vector.broadcast %jit3A_213 : f32 to vector<16xf32>
      %select_n3A_216 = arith.select %eq3A_211, %broadcast_in_dim3A_214, %broadcast_in_dim3A_215 : vector<16xi1>, vector<16xf32>
      %mul3A_217 = vector.broadcast %reduce_sum3A_210 : f32 to vector<16xf32>
      %mul3A_218 = arith.mulf %mul3A_217, %gather3A_200 : vector<16xf32>
      %mul3A_219 = arith.mulf %mul3A_218, %select_n3A_216 : vector<16xf32>
      %add3A_220 = arith.addf %add3A_170, %mul3A_219 : vector<16xf32>
      %swap3A_221 = arith.constant 0 : index
      %swap3A_222 = tpu.vector_load %arg9[%swap3A_221] {strides = array<i32>} : memref<16xf32, #tpu.memory_space<vmem>>, vector<16xf32>,
      tpu.vector_store %arg9[%swap3A_221], %add3A_220 {strides = array<i32>} : memref<16xf32, #tpu.memory_space<vmem>>, vector<16xf32>,
      "tpu.region"() ({
        %run_scoped3A = tpu.sem_alloc : memref<!tpu.dma_semaphore, #tpu.memory_space<semaphore_mem>>
        %dma_start3A = arith.constant 0 : i32
        %dma_start3A_223 = tpu.memref_slice %arg4[%add3A, %dma_start3A] : memref<8x16xf32, #tpu.memory_space<hbm>> -> memref<1x16xf32, #tpu.memory_space<hbm>>
        %dma_start3A_224 = tpu.memref_squeeze %dma_start3A_223 : memref<1x16xf32, #tpu.memory_space<hbm>> -> memref<16xf32, #tpu.memory_space<hbm>>
        %dma_start3A_225 = arith.constant 0 : i32
        %dma_start3A_226 = tpu.memref_slice %arg4[%add3A, %dma_start3A_225] : memref<8x16xf32, #tpu.memory_space<hbm>> -> memref<1x16xf32, #tpu.memory_space<hbm>>
        %dma_start3A_227 = tpu.memref_squeeze %dma_start3A_226 : memref<1x16xf32, #tpu.memory_space<hbm>> -> memref<16xf32, #tpu.memory_space<hbm>>
        tpu.enqueue_dma source(%arg9 : memref<16xf32, #tpu.memory_space<vmem>>) target(%dma_start3A_227 : memref<16xf32, #tpu.memory_space<hbm>>) target_semaphore(%run_scoped3A : memref<!tpu.dma_semaphore, #tpu.memory_space<semaphore_mem>>)
        %dma_wait3A = arith.constant 0 : i32
        %dma_wait3A_228 = tpu.memref_slice %arg4[%add3A, %dma_wait3A] : memref<8x16xf32, #tpu.memory_space<hbm>> -> memref<1x16xf32, #tpu.memory_space<hbm>>
        %dma_wait3A_229 = tpu.memref_squeeze %dma_wait3A_228 : memref<1x16xf32, #tpu.memory_space<hbm>> -> memref<16xf32, #tpu.memory_space<hbm>>
        %dma_wait3A_230 = arith.constant 0 : i32
        %dma_wait3A_231 = tpu.memref_slice %arg4[%add3A, %dma_wait3A_230] : memref<8x16xf32, #tpu.memory_space<hbm>> -> memref<1x16xf32, #tpu.memory_space<hbm>>
        %dma_wait3A_232 = tpu.memref_squeeze %dma_wait3A_231 : memref<1x16xf32, #tpu.memory_space<hbm>> -> memref<16xf32, #tpu.memory_space<hbm>>
        tpu.wait_dma2 semaphore(%run_scoped3A : memref<!tpu.dma_semaphore, #tpu.memory_space<semaphore_mem>>) src(%arg9 : memref<16xf32, #tpu.memory_space<vmem>>) dst(%dma_wait3A_232 : memref<16xf32, #tpu.memory_space<hbm>>)
        tpu.yield
      }) : () -> ()
    } else {
    }
    return
  }
}

module attributes {stable_mosaic.version = 14 : i64} {
  func.func @_reduce_kernel(%arg0: i32, %arg1: i32, %arg2: memref<8x16xf32, #tpu.memory_space<vmem>>, %arg3: memref<1x1024x2048xf32, #tpu.memory_space<vmem>>, %arg4: memref<16x2048xf32, #tpu.memory_space<vmem>>, %arg5: memref<1x1x1x1024xf32, #tpu.memory_space<vmem>>, %arg6: memref<8x2048xf32, #tpu.memory_space<vmem>>) attributes {dimension_semantics = [#tpu.dimension_semantics<arbitrary>, #tpu.dimension_semantics<arbitrary>], iteration_bounds = array<i64: 4, 1>, scalar_prefetch = 0 : i64, scratch_operands = 1 : i64, tpu.core_type = #tpu.core_type<tc>, window_params = [{pipeline_mode = #tpu.pipeline_mode<synchronous>, transform_indices = @transform_0, window_bounds = array<i64: 8, 16>}, {transform_indices = @transform_1, window_bounds = array<i64: 1, 1024, 2048>}, {pipeline_mode = #tpu.pipeline_mode<synchronous>, transform_indices = @transform_2, window_bounds = array<i64: 16, 2048>}, {transform_indices = @transform_3, window_bounds = array<i64: 1, 1, 1, 1024>}]} {
    %eq3A = arith.constant 0 : i32
    %eq3A_0 = arith.cmpi eq, %arg0, %eq3A : i32
    %eq3A_1 = arith.constant 0 : i32
    %eq3A_2 = arith.cmpi eq, %arg1, %eq3A_1 : i32
    %and3A = arith.andi %eq3A_0, %eq3A_2 : i1
    %convert_element_type3A = arith.extui %and3A : i1 to i32
    %cond3A = arith.constant 0 : i32
    %cond3A_3 = arith.cmpi ne, %convert_element_type3A, %cond3A : i32
    scf.if %cond3A_3 {
      %get3A_198 = arith.constant 0 : index
      %get3A_199 = arith.constant 0 : index
      %get3A_200 = vector.load %arg2[%get3A_198, %get3A_199] : memref<8x16xf32, #tpu.memory_space<vmem>>, vector<8x16xf32>
      %get3A_201 = arith.constant 0 : index
      %get3A_202 = arith.constant 0 : index
      %get3A_203 = vector.load %arg4[%get3A_201, %get3A_202] : memref<16x2048xf32, #tpu.memory_space<vmem>>, vector<16x2048xf32>
      %dot_general3A = arith.constant dense<0.000000e+00> : vector<8x2048xf32>
      %dot_general3A_204 = tpu.matmul %get3A_200, %get3A_203, %dot_general3A {dimension_numbers = #tpu.dot_dimension_numbers<[1], [0], [0], [1], [0, 0, 1, 1], [], []>, transpose_lhs_hint = false} : vector<8x16xf32>, vector<16x2048xf32>, vector<8x2048xf32> -> vector<8x2048xf32>
      %swap3A_205 = arith.constant 0 : index
      %swap3A_206 = arith.constant 0 : index
      %swap3A_207 = vector.load %arg6[%swap3A_205, %swap3A_206] : memref<8x2048xf32, #tpu.memory_space<vmem>>, vector<8x2048xf32>
      tpu.vector_store %arg6[%swap3A_205, %swap3A_206], %dot_general3A_204 {strides = array<i32>} : memref<8x2048xf32, #tpu.memory_space<vmem>>, vector<8x2048xf32>,
    } else {
    }
    %mul3A = arith.constant 8 : i32
    %mul3A_4 = arith.muli %arg1, %mul3A : i32
    %add3A = arith.constant 0 : i32
    %add3A_5 = arith.addi %mul3A_4, %add3A : i32
    %get3A = arith.index_cast %add3A_5 : i32 to index
    %get3A_6 = arith.constant 0 : index
    %get3A_7 = vector.load %arg6[%get3A, %get3A_6] : memref<8x2048xf32, #tpu.memory_space<vmem>>, vector<1x2048xf32>
    %get3A_8 = vector.shape_cast %get3A_7 : vector<1x2048xf32> to vector<2048xf32>
    %get3A_9 = arith.constant 0 : index
    %get3A_10 = arith.constant 0 : index
    %get3A_11 = arith.constant 0 : index
    %get3A_12 = vector.load %arg3[%get3A_9, %get3A_10, %get3A_11] : memref<1x1024x2048xf32, #tpu.memory_space<vmem>>, vector<1x128x2048xf32>
    %get3A_13 = vector.shape_cast %get3A_12 : vector<1x128x2048xf32> to vector<128x2048xf32>
    %broadcast_in_dim3A = vector.shape_cast %get3A_8 : vector<2048xf32> to vector<1x2048xf32>
    %mul3A_14 = vector.broadcast %broadcast_in_dim3A : vector<1x2048xf32> to vector<128x2048xf32>
    %mul3A_15 = arith.mulf %get3A_13, %mul3A_14 : vector<128x2048xf32>
    %reduce_sum3A = arith.constant dense<0.000000e+00> : vector<128xf32>
    %reduce_sum3A_16 = vector.multi_reduction <add>, %mul3A_15, %reduce_sum3A [1] : vector<128x2048xf32> to vector<128xf32>
    %swap3A = arith.constant 0 : index
    %swap3A_17 = arith.constant 0 : index
    %swap3A_18 = arith.constant 0 : index
    %swap3A_19 = arith.constant 0 : index
    %swap3A_20 = vector.load %arg5[%swap3A, %swap3A_17, %swap3A_18, %swap3A_19] : memref<1x1x1x1024xf32, #tpu.memory_space<vmem>>, vector<1x1x1x128xf32>
    %swap3A_21 = vector.shape_cast %swap3A_20 : vector<1x1x1x128xf32> to vector<128xf32>
    %swap3A_22 = vector.shape_cast %reduce_sum3A_16 : vector<128xf32> to vector<1x1x1x128xf32>
    tpu.vector_store %arg5[%swap3A, %swap3A_17, %swap3A_18, %swap3A_19], %swap3A_22 {strides = array<i32>} : memref<1x1x1x1024xf32, #tpu.memory_space<vmem>>, vector<1x1x1x128xf32>,
    %mul3A_23 = arith.constant 8 : i32
    %mul3A_24 = arith.muli %arg1, %mul3A_23 : i32
    %add3A_25 = arith.constant 1 : i32
    %add3A_26 = arith.addi %mul3A_24, %add3A_25 : i32
    %get3A_27 = arith.index_cast %add3A_26 : i32 to index
    %get3A_28 = arith.constant 0 : index
    %get3A_29 = vector.load %arg6[%get3A_27, %get3A_28] : memref<8x2048xf32, #tpu.memory_space<vmem>>, vector<1x2048xf32>
    %get3A_30 = vector.shape_cast %get3A_29 : vector<1x2048xf32> to vector<2048xf32>
    %get3A_31 = arith.constant 0 : index
    %get3A_32 = arith.constant 128 : index
    %get3A_33 = arith.constant 0 : index
    %get3A_34 = vector.load %arg3[%get3A_31, %get3A_32, %get3A_33] : memref<1x1024x2048xf32, #tpu.memory_space<vmem>>, vector<1x128x2048xf32>
    %get3A_35 = vector.shape_cast %get3A_34 : vector<1x128x2048xf32> to vector<128x2048xf32>
    %broadcast_in_dim3A_36 = vector.shape_cast %get3A_30 : vector<2048xf32> to vector<1x2048xf32>
    %mul3A_37 = vector.broadcast %broadcast_in_dim3A_36 : vector<1x2048xf32> to vector<128x2048xf32>
    %mul3A_38 = arith.mulf %get3A_35, %mul3A_37 : vector<128x2048xf32>
    %reduce_sum3A_39 = arith.constant dense<0.000000e+00> : vector<128xf32>
    %reduce_sum3A_40 = vector.multi_reduction <add>, %mul3A_38, %reduce_sum3A_39 [1] : vector<128x2048xf32> to vector<128xf32>
    %swap3A_41 = arith.constant 0 : index
    %swap3A_42 = arith.constant 0 : index
    %swap3A_43 = arith.constant 0 : index
    %swap3A_44 = arith.constant 128 : index
    %swap3A_45 = vector.load %arg5[%swap3A_41, %swap3A_42, %swap3A_43, %swap3A_44] : memref<1x1x1x1024xf32, #tpu.memory_space<vmem>>, vector<1x1x1x128xf32>
    %swap3A_46 = vector.shape_cast %swap3A_45 : vector<1x1x1x128xf32> to vector<128xf32>
    %swap3A_47 = vector.shape_cast %reduce_sum3A_40 : vector<128xf32> to vector<1x1x1x128xf32>
    tpu.vector_store %arg5[%swap3A_41, %swap3A_42, %swap3A_43, %swap3A_44], %swap3A_47 {strides = array<i32>} : memref<1x1x1x1024xf32, #tpu.memory_space<vmem>>, vector<1x1x1x128xf32>,
    %mul3A_48 = arith.constant 8 : i32
    %mul3A_49 = arith.muli %arg1, %mul3A_48 : i32
    %add3A_50 = arith.constant 2 : i32
    %add3A_51 = arith.addi %mul3A_49, %add3A_50 : i32
    %get3A_52 = arith.index_cast %add3A_51 : i32 to index
    %get3A_53 = arith.constant 0 : index
    %get3A_54 = vector.load %arg6[%get3A_52, %get3A_53] : memref<8x2048xf32, #tpu.memory_space<vmem>>, vector<1x2048xf32>
    %get3A_55 = vector.shape_cast %get3A_54 : vector<1x2048xf32> to vector<2048xf32>
    %get3A_56 = arith.constant 0 : index
    %get3A_57 = arith.constant 256 : index
    %get3A_58 = arith.constant 0 : index
    %get3A_59 = vector.load %arg3[%get3A_56, %get3A_57, %get3A_58] : memref<1x1024x2048xf32, #tpu.memory_space<vmem>>, vector<1x128x2048xf32>
    %get3A_60 = vector.shape_cast %get3A_59 : vector<1x128x2048xf32> to vector<128x2048xf32>
    %broadcast_in_dim3A_61 = vector.shape_cast %get3A_55 : vector<2048xf32> to vector<1x2048xf32>
    %mul3A_62 = vector.broadcast %broadcast_in_dim3A_61 : vector<1x2048xf32> to vector<128x2048xf32>
    %mul3A_63 = arith.mulf %get3A_60, %mul3A_62 : vector<128x2048xf32>
    %reduce_sum3A_64 = arith.constant dense<0.000000e+00> : vector<128xf32>
    %reduce_sum3A_65 = vector.multi_reduction <add>, %mul3A_63, %reduce_sum3A_64 [1] : vector<128x2048xf32> to vector<128xf32>
    %swap3A_66 = arith.constant 0 : index
    %swap3A_67 = arith.constant 0 : index
    %swap3A_68 = arith.constant 0 : index
    %swap3A_69 = arith.constant 256 : index
    %swap3A_70 = vector.load %arg5[%swap3A_66, %swap3A_67, %swap3A_68, %swap3A_69] : memref<1x1x1x1024xf32, #tpu.memory_space<vmem>>, vector<1x1x1x128xf32>
    %swap3A_71 = vector.shape_cast %swap3A_70 : vector<1x1x1x128xf32> to vector<128xf32>
    %swap3A_72 = vector.shape_cast %reduce_sum3A_65 : vector<128xf32> to vector<1x1x1x128xf32>
    tpu.vector_store %arg5[%swap3A_66, %swap3A_67, %swap3A_68, %swap3A_69], %swap3A_72 {strides = array<i32>} : memref<1x1x1x1024xf32, #tpu.memory_space<vmem>>, vector<1x1x1x128xf32>,
    %mul3A_73 = arith.constant 8 : i32
    %mul3A_74 = arith.muli %arg1, %mul3A_73 : i32
    %add3A_75 = arith.constant 3 : i32
    %add3A_76 = arith.addi %mul3A_74, %add3A_75 : i32
    %get3A_77 = arith.index_cast %add3A_76 : i32 to index
    %get3A_78 = arith.constant 0 : index
    %get3A_79 = vector.load %arg6[%get3A_77, %get3A_78] : memref<8x2048xf32, #tpu.memory_space<vmem>>, vector<1x2048xf32>
    %get3A_80 = vector.shape_cast %get3A_79 : vector<1x2048xf32> to vector<2048xf32>
    %get3A_81 = arith.constant 0 : index
    %get3A_82 = arith.constant 384 : index
    %get3A_83 = arith.constant 0 : index
    %get3A_84 = vector.load %arg3[%get3A_81, %get3A_82, %get3A_83] : memref<1x1024x2048xf32, #tpu.memory_space<vmem>>, vector<1x128x2048xf32>
    %get3A_85 = vector.shape_cast %get3A_84 : vector<1x128x2048xf32> to vector<128x2048xf32>
    %broadcast_in_dim3A_86 = vector.shape_cast %get3A_80 : vector<2048xf32> to vector<1x2048xf32>
    %mul3A_87 = vector.broadcast %broadcast_in_dim3A_86 : vector<1x2048xf32> to vector<128x2048xf32>
    %mul3A_88 = arith.mulf %get3A_85, %mul3A_87 : vector<128x2048xf32>
    %reduce_sum3A_89 = arith.constant dense<0.000000e+00> : vector<128xf32>
    %reduce_sum3A_90 = vector.multi_reduction <add>, %mul3A_88, %reduce_sum3A_89 [1] : vector<128x2048xf32> to vector<128xf32>
    %swap3A_91 = arith.constant 0 : index
    %swap3A_92 = arith.constant 0 : index
    %swap3A_93 = arith.constant 0 : index
    %swap3A_94 = arith.constant 384 : index
    %swap3A_95 = vector.load %arg5[%swap3A_91, %swap3A_92, %swap3A_93, %swap3A_94] : memref<1x1x1x1024xf32, #tpu.memory_space<vmem>>, vector<1x1x1x128xf32>
    %swap3A_96 = vector.shape_cast %swap3A_95 : vector<1x1x1x128xf32> to vector<128xf32>
    %swap3A_97 = vector.shape_cast %reduce_sum3A_90 : vector<128xf32> to vector<1x1x1x128xf32>
    tpu.vector_store %arg5[%swap3A_91, %swap3A_92, %swap3A_93, %swap3A_94], %swap3A_97 {strides = array<i32>} : memref<1x1x1x1024xf32, #tpu.memory_space<vmem>>, vector<1x1x1x128xf32>,
    %mul3A_98 = arith.constant 8 : i32
    %mul3A_99 = arith.muli %arg1, %mul3A_98 : i32
    %add3A_100 = arith.constant 4 : i32
    %add3A_101 = arith.addi %mul3A_99, %add3A_100 : i32
    %get3A_102 = arith.index_cast %add3A_101 : i32 to index
    %get3A_103 = arith.constant 0 : index
    %get3A_104 = vector.load %arg6[%get3A_102, %get3A_103] : memref<8x2048xf32, #tpu.memory_space<vmem>>, vector<1x2048xf32>
    %get3A_105 = vector.shape_cast %get3A_104 : vector<1x2048xf32> to vector<2048xf32>
    %get3A_106 = arith.constant 0 : index
    %get3A_107 = arith.constant 512 : index
    %get3A_108 = arith.constant 0 : index
    %get3A_109 = vector.load %arg3[%get3A_106, %get3A_107, %get3A_108] : memref<1x1024x2048xf32, #tpu.memory_space<vmem>>, vector<1x128x2048xf32>
    %get3A_110 = vector.shape_cast %get3A_109 : vector<1x128x2048xf32> to vector<128x2048xf32>
    %broadcast_in_dim3A_111 = vector.shape_cast %get3A_105 : vector<2048xf32> to vector<1x2048xf32>
    %mul3A_112 = vector.broadcast %broadcast_in_dim3A_111 : vector<1x2048xf32> to vector<128x2048xf32>
    %mul3A_113 = arith.mulf %get3A_110, %mul3A_112 : vector<128x2048xf32>
    %reduce_sum3A_114 = arith.constant dense<0.000000e+00> : vector<128xf32>
    %reduce_sum3A_115 = vector.multi_reduction <add>, %mul3A_113, %reduce_sum3A_114 [1] : vector<128x2048xf32> to vector<128xf32>
    %swap3A_116 = arith.constant 0 : index
    %swap3A_117 = arith.constant 0 : index
    %swap3A_118 = arith.constant 0 : index
    %swap3A_119 = arith.constant 512 : index
    %swap3A_120 = vector.load %arg5[%swap3A_116, %swap3A_117, %swap3A_118, %swap3A_119] : memref<1x1x1x1024xf32, #tpu.memory_space<vmem>>, vector<1x1x1x128xf32>
    %swap3A_121 = vector.shape_cast %swap3A_120 : vector<1x1x1x128xf32> to vector<128xf32>
    %swap3A_122 = vector.shape_cast %reduce_sum3A_115 : vector<128xf32> to vector<1x1x1x128xf32>
    tpu.vector_store %arg5[%swap3A_116, %swap3A_117, %swap3A_118, %swap3A_119], %swap3A_122 {strides = array<i32>} : memref<1x1x1x1024xf32, #tpu.memory_space<vmem>>, vector<1x1x1x128xf32>,
    %mul3A_123 = arith.constant 8 : i32
    %mul3A_124 = arith.muli %arg1, %mul3A_123 : i32
    %add3A_125 = arith.constant 5 : i32
    %add3A_126 = arith.addi %mul3A_124, %add3A_125 : i32
    %get3A_127 = arith.index_cast %add3A_126 : i32 to index
    %get3A_128 = arith.constant 0 : index
    %get3A_129 = vector.load %arg6[%get3A_127, %get3A_128] : memref<8x2048xf32, #tpu.memory_space<vmem>>, vector<1x2048xf32>
    %get3A_130 = vector.shape_cast %get3A_129 : vector<1x2048xf32> to vector<2048xf32>
    %get3A_131 = arith.constant 0 : index
    %get3A_132 = arith.constant 640 : index
    %get3A_133 = arith.constant 0 : index
    %get3A_134 = vector.load %arg3[%get3A_131, %get3A_132, %get3A_133] : memref<1x1024x2048xf32, #tpu.memory_space<vmem>>, vector<1x128x2048xf32>
    %get3A_135 = vector.shape_cast %get3A_134 : vector<1x128x2048xf32> to vector<128x2048xf32>
    %broadcast_in_dim3A_136 = vector.shape_cast %get3A_130 : vector<2048xf32> to vector<1x2048xf32>
    %mul3A_137 = vector.broadcast %broadcast_in_dim3A_136 : vector<1x2048xf32> to vector<128x2048xf32>
    %mul3A_138 = arith.mulf %get3A_135, %mul3A_137 : vector<128x2048xf32>
    %reduce_sum3A_139 = arith.constant dense<0.000000e+00> : vector<128xf32>
    %reduce_sum3A_140 = vector.multi_reduction <add>, %mul3A_138, %reduce_sum3A_139 [1] : vector<128x2048xf32> to vector<128xf32>
    %swap3A_141 = arith.constant 0 : index
    %swap3A_142 = arith.constant 0 : index
    %swap3A_143 = arith.constant 0 : index
    %swap3A_144 = arith.constant 640 : index
    %swap3A_145 = vector.load %arg5[%swap3A_141, %swap3A_142, %swap3A_143, %swap3A_144] : memref<1x1x1x1024xf32, #tpu.memory_space<vmem>>, vector<1x1x1x128xf32>
    %swap3A_146 = vector.shape_cast %swap3A_145 : vector<1x1x1x128xf32> to vector<128xf32>
    %swap3A_147 = vector.shape_cast %reduce_sum3A_140 : vector<128xf32> to vector<1x1x1x128xf32>
    tpu.vector_store %arg5[%swap3A_141, %swap3A_142, %swap3A_143, %swap3A_144], %swap3A_147 {strides = array<i32>} : memref<1x1x1x1024xf32, #tpu.memory_space<vmem>>, vector<1x1x1x128xf32>,
    %mul3A_148 = arith.constant 8 : i32
    %mul3A_149 = arith.muli %arg1, %mul3A_148 : i32
    %add3A_150 = arith.constant 6 : i32
    %add3A_151 = arith.addi %mul3A_149, %add3A_150 : i32
    %get3A_152 = arith.index_cast %add3A_151 : i32 to index
    %get3A_153 = arith.constant 0 : index
    %get3A_154 = vector.load %arg6[%get3A_152, %get3A_153] : memref<8x2048xf32, #tpu.memory_space<vmem>>, vector<1x2048xf32>
    %get3A_155 = vector.shape_cast %get3A_154 : vector<1x2048xf32> to vector<2048xf32>
    %get3A_156 = arith.constant 0 : index
    %get3A_157 = arith.constant 768 : index
    %get3A_158 = arith.constant 0 : index
    %get3A_159 = vector.load %arg3[%get3A_156, %get3A_157, %get3A_158] : memref<1x1024x2048xf32, #tpu.memory_space<vmem>>, vector<1x128x2048xf32>
    %get3A_160 = vector.shape_cast %get3A_159 : vector<1x128x2048xf32> to vector<128x2048xf32>
    %broadcast_in_dim3A_161 = vector.shape_cast %get3A_155 : vector<2048xf32> to vector<1x2048xf32>
    %mul3A_162 = vector.broadcast %broadcast_in_dim3A_161 : vector<1x2048xf32> to vector<128x2048xf32>
    %mul3A_163 = arith.mulf %get3A_160, %mul3A_162 : vector<128x2048xf32>
    %reduce_sum3A_164 = arith.constant dense<0.000000e+00> : vector<128xf32>
    %reduce_sum3A_165 = vector.multi_reduction <add>, %mul3A_163, %reduce_sum3A_164 [1] : vector<128x2048xf32> to vector<128xf32>
    %swap3A_166 = arith.constant 0 : index
    %swap3A_167 = arith.constant 0 : index
    %swap3A_168 = arith.constant 0 : index
    %swap3A_169 = arith.constant 768 : index
    %swap3A_170 = vector.load %arg5[%swap3A_166, %swap3A_167, %swap3A_168, %swap3A_169] : memref<1x1x1x1024xf32, #tpu.memory_space<vmem>>, vector<1x1x1x128xf32>
    %swap3A_171 = vector.shape_cast %swap3A_170 : vector<1x1x1x128xf32> to vector<128xf32>
    %swap3A_172 = vector.shape_cast %reduce_sum3A_165 : vector<128xf32> to vector<1x1x1x128xf32>
    tpu.vector_store %arg5[%swap3A_166, %swap3A_167, %swap3A_168, %swap3A_169], %swap3A_172 {strides = array<i32>} : memref<1x1x1x1024xf32, #tpu.memory_space<vmem>>, vector<1x1x1x128xf32>,
    %mul3A_173 = arith.constant 8 : i32
    %mul3A_174 = arith.muli %arg1, %mul3A_173 : i32
    %add3A_175 = arith.constant 7 : i32
    %add3A_176 = arith.addi %mul3A_174, %add3A_175 : i32
    %get3A_177 = arith.index_cast %add3A_176 : i32 to index
    %get3A_178 = arith.constant 0 : index
    %get3A_179 = vector.load %arg6[%get3A_177, %get3A_178] : memref<8x2048xf32, #tpu.memory_space<vmem>>, vector<1x2048xf32>
    %get3A_180 = vector.shape_cast %get3A_179 : vector<1x2048xf32> to vector<2048xf32>
    %get3A_181 = arith.constant 0 : index
    %get3A_182 = arith.constant 896 : index
    %get3A_183 = arith.constant 0 : index
    %get3A_184 = vector.load %arg3[%get3A_181, %get3A_182, %get3A_183] : memref<1x1024x2048xf32, #tpu.memory_space<vmem>>, vector<1x128x2048xf32>
    %get3A_185 = vector.shape_cast %get3A_184 : vector<1x128x2048xf32> to vector<128x2048xf32>
    %broadcast_in_dim3A_186 = vector.shape_cast %get3A_180 : vector<2048xf32> to vector<1x2048xf32>
    %mul3A_187 = vector.broadcast %broadcast_in_dim3A_186 : vector<1x2048xf32> to vector<128x2048xf32>
    %mul3A_188 = arith.mulf %get3A_185, %mul3A_187 : vector<128x2048xf32>
    %reduce_sum3A_189 = arith.constant dense<0.000000e+00> : vector<128xf32>
    %reduce_sum3A_190 = vector.multi_reduction <add>, %mul3A_188, %reduce_sum3A_189 [1] : vector<128x2048xf32> to vector<128xf32>
    %swap3A_191 = arith.constant 0 : index
    %swap3A_192 = arith.constant 0 : index
    %swap3A_193 = arith.constant 0 : index
    %swap3A_194 = arith.constant 896 : index
    %swap3A_195 = vector.load %arg5[%swap3A_191, %swap3A_192, %swap3A_193, %swap3A_194] : memref<1x1x1x1024xf32, #tpu.memory_space<vmem>>, vector<1x1x1x128xf32>
    %swap3A_196 = vector.shape_cast %swap3A_195 : vector<1x1x1x128xf32> to vector<128xf32>
    %swap3A_197 = vector.shape_cast %reduce_sum3A_190 : vector<128xf32> to vector<1x1x1x128xf32>
    tpu.vector_store %arg5[%swap3A_191, %swap3A_192, %swap3A_193, %swap3A_194], %swap3A_197 {strides = array<i32>} : memref<1x1x1x1024xf32, #tpu.memory_space<vmem>>, vector<1x1x1x128xf32>,
    return
  }
  func.func @transform_0(%arg0: i32, %arg1: i32) -> (i32, i32) {
    %c0_i32 = arith.constant 0 : i32
    %c0_i32_0 = arith.constant 0 : i32
    %c0_i32_1 = arith.constant 0 : i32
    return %c0_i32, %c0_i32_0 : i32, i32
  }
  func.func @transform_1(%arg0: i32, %arg1: i32) -> (i32, i32, i32) {
    %c0_i32 = arith.constant 0 : i32
    %c0_i32_0 = arith.constant 0 : i32
    return %arg0, %arg1, %c0_i32 : i32, i32, i32
  }
  func.func @transform_2(%arg0: i32, %arg1: i32) -> (i32, i32) {
    %c0_i32 = arith.constant 0 : i32
    %c0_i32_0 = arith.constant 0 : i32
    %c0_i32_1 = arith.constant 0 : i32
    return %c0_i32, %c0_i32_0 : i32, i32
  }
  func.func @transform_3(%arg0: i32, %arg1: i32) -> (i32, i32, i32, i32) {
    %c0_i32 = arith.constant 0 : i32
    %c0_i32_0 = arith.constant 0 : i32
    %c0_i32_1 = arith.constant 0 : i32
    return %arg0, %arg1, %c0_i32, %c0_i32_0 : i32, i32, i32, i32
  }
}

</mosaic_0001>

<sc_bundles>
// kernel: kernel.4.cloned.1.call-start
scs
__scs_entry_jumppad:
0x0: {  	(pc) =	sbr.rel $0x88, $3  }
0x1: {  	(tag) =	ssettag $0x0;
	lr =	simm.s32 $0x1  }
0x2: {  	[smem:$0x3F9D] =	sst lr;
	_ =	strace $0xD0000000  }
0x3: {  	_ = 	snop  }
0x4: {  	_ = 	snop  }
0x5: {  	_ = 	snop  }
0x6: {  	_ = 	snop  }
0x7: {  	_ = 	snop  }
__scs_overlays_trampoline_lowered:
0x8: {  	[smem:$0x3FAC] =	sst s0  }
0x9: {  	[smem:$0x3FAD] =	sst s1  }
0xa: {  	[smem:$0x3FAE] =	sst s2  }
0xb: {  	[smem:$0x3FAF] =	sst s3  }
0xc: {  	[smem:$0x3FB0] =	sst s4  }
0xd: {  	[smem:$0x3FB1] =	sst s5  }
0xe: {  	[smem:$0x3FB2] =	sst s6  }
0xf: {  	[smem:$0x3FB3] =	sst s7  }
0x10: {  	[smem:$0x3FB4] =	sst s8  }
0x11: {  	[smem:$0x3FB5] =	sst s9;
	s0 =	simm.s32 @!p0 $0x0  }
0x12: {  	s1 =	sld [smem:$0x3F9B];
	s0 =	simm.s32 @p0 $0x1  }
0x13: {  	[smem:$0x3FB6] =	sst s0;
	s0 =	simm.s32 @!p1 $0x0  }
0x14: {  	s2 =	sld [smem:$0x3F9A];
	s0 =	simm.s32 @p1 $0x1  }
0x15: {  	[smem:$0x3FB7] =	sst s0;
	s0 =	simm.s32 @!p2 $0x0  }
0x16: {  	s3 =	sld [smem:$0x3FDB];
	s0 =	simm.s32 @p2 $0x1  }
0x17: {  	s4 =	simm.s32 $0x1BF5;
	[smem:$0x3FB9] =	sst s0  }
0x18: {  	s0 =	sld [smem:$0x3F9C];
	_ =	swait.ge [sflag:s4], $0x0  }
0x19: {  	s7 =	sld [smem:$0x3F9D]  }
0x1a: {  	s8 =	sadd.s32 $0xFFFFE003, lr  }
0x1b: {  	s9 =	sadd.s32 $0xFFFFFEF7, lr;
	s5 =	simm.s32 $0xFFFFFFFF;
	p2 =	slt.u32 s8, $0xFFFFF086  }
0x1c: {  	p1 =	slt.u32 s9, $0xF7A;
	s5 =	simm.s32 @!p2 $0x0  }
0x1d: {  	s5 =	simm.s32 @p1 $0x1;
	p0 =	seq.s32 s7, s2  }
0x1e: {  	s7 =	smul.u32 @!p0 $0xF7A, s2;
	p2 =	seq.s32 @!p0 s5, $0x0  }
0x1f: {  	s9 =	smul.u32 $0xF7A, s1;
	s8 =	simm.s32 @!p0 $0x1BF5;
	p2 =	por !p2, p0  }
0x20: {  	[sflag:s8] =	ssyncset.s32 @!p0 $0xFFFFF086;
	s6 =	sadd.s32 @!p0 s3, s7;
	s7 =	simm.s32 @!p0 $0x108  }
0x21: {  	s3 =	sadd.s32 s3, s9;
	s6 =	sadd.s32 @!p0 $0x88, s6;
	s7 =	simm.s32 @p2 $0x1082  }
0x22: {  	[simem:s7], [sflag:s8] =	dma.local @!p0 [hbm:s6], $0xF7A  }
0x23: {  	s9 =	sor.u32 $0xD0000000, s2;
	s6 =	simm.s32 $0x108;
	_ =	swait.ge @!p0 [sflag:s8], $0x0  }
0x24: {  	s3 =	sadd.s32 $0x88, s3;
	s6 =	simm.s32 @!p1 $0x1082;
	[sflag:s4] =	ssyncset.s32 $0xFFFFF086  }
0x25: {  	[simem:s6], [sflag:s4] =	dma.local [hbm:s3], $0xF7A  }
0x26: {  	[smem:$0x3F9D] =	sst s1;
	(tag) =	ssettag s2;
	_ =	strace s9  }
0x27: {  	s1 =	sld [smem:$0x3FAD]  }
0x28: {  	s2 =	sld [smem:$0x3FAE]  }
0x29: {  	s4 =	sld [smem:$0x3FB0]  }
0x2a: {  	p0 =	seq.s32 s5, $0x0;
	s5 =	sld [smem:$0x3FB1]  }
0x2b: {  	s6 =	sld [smem:$0x3FB2]  }
0x2c: {  	s7 =	sld [smem:$0x3FB3]  }
0x2d: {  	s3 =	simm.s32 $0x108;
	s8 =	sld [smem:$0x3FB4]  }
0x2e: {  	s3 =	simm.s32 @!p0 $0x1082;
	s9 =	sld [smem:$0x3FB5]  }
0x2f: {  	lr =	sadd.s32 s0, s3;
	s0 =	sld [smem:$0x3FAC]  }
0x30: {  	s3 =	sld [smem:$0x3FAF]  }
0x31: {  	[smem:$0x3FB8] =	sst s10  }
0x32: {  	s10 =	sld [smem:$0x3FB6];
	_ =	sdelay $0x3  }
0x33: {  	p0 =	seq.s32 s10, $0x1;
	s10 =	sld [smem:$0x3FB8];
	_ =	sdelay $0x3  }
0x34: {  	[smem:$0x3FB8] =	sst s10  }
0x35: {  	s10 =	sld [smem:$0x3FB7];
	_ =	sdelay $0x3  }
0x36: {  	p1 =	seq.s32 s10, $0x1;
	s10 =	sld [smem:$0x3FB8];
	_ =	sdelay $0x3  }
0x37: {  	[smem:$0x3FB8] =	sst s10  }
0x38: {  	s10 =	sld [smem:$0x3FB9]  }
0x39: {  	_ = 	snop;
	(pc) =	sbr.ind lr, $3  }
0x3a: {  	_ = 	snop  }
0x3b: {  	_ = 	snop  }
0x3c: {  	p2 =	seq.s32 s10, $0x1;
	s10 =	sld [smem:$0x3FB8]  }
0x3d: {  	_ =	shalt  }
0x3e: {  	_ =	shalt  }
0x3f: {  	_ =	shalt  }
0x40: {  	_ =	shalt  }
0x41: {  	_ =	shalt  }
0x42: {  	_ =	shalt  }
0x43: {  	_ =	shalt  }
0x44: {  	_ =	shalt  }
0x45: {  	_ =	shalt  }
0x46: {  	_ =	shalt  }
0x47: {  	_ =	shalt  }
0x48: {  	_ =	shalt  }
0x49: {  	_ =	shalt  }
0x4a: {  	_ =	shalt  }
0x4b: {  	_ =	shalt  }
0x4c: {  	_ =	shalt  }
0x4d: {  	_ =	shalt  }
0x4e: {  	_ =	shalt  }
0x4f: {  	_ =	shalt  }
0x50: {  	_ =	shalt  }
0x51: {  	_ =	shalt  }
0x52: {  	_ =	shalt  }
0x53: {  	_ =	shalt  }
0x54: {  	_ =	shalt  }
0x55: {  	_ =	shalt  }
0x56: {  	_ =	shalt  }
0x57: {  	_ =	shalt  }
0x58: {  	_ =	shalt  }
0x59: {  	_ =	shalt  }
0x5a: {  	_ =	shalt  }
0x5b: {  	_ =	shalt  }
0x5c: {  	_ =	shalt  }
0x5d: {  	_ =	shalt  }
0x5e: {  	_ =	shalt  }
0x5f: {  	_ =	shalt  }
0x60: {  	_ =	shalt  }
0x61: {  	_ =	shalt  }
0x62: {  	_ =	shalt  }
0x63: {  	_ =	shalt  }
0x64: {  	_ =	shalt  }
0x65: {  	_ =	shalt  }
0x66: {  	_ =	shalt  }
0x67: {  	_ =	shalt  }
0x68: {  	_ =	shalt  }
0x69: {  	_ =	shalt  }
0x6a: {  	_ =	shalt  }
0x6b: {  	_ =	shalt  }
0x6c: {  	_ =	shalt  }
0x6d: {  	_ =	shalt  }
0x6e: {  	_ =	shalt  }
0x6f: {  	_ =	shalt  }
0x70: {  	_ =	shalt  }
0x71: {  	_ =	shalt  }
0x72: {  	_ =	shalt  }
0x73: {  	_ =	shalt  }
0x74: {  	_ =	shalt  }
0x75: {  	_ =	shalt  }
0x76: {  	_ =	shalt  }
0x77: {  	_ =	shalt  }
0x78: {  	_ =	shalt  }
0x79: {  	_ =	shalt  }
0x7a: {  	_ =	shalt  }
0x7b: {  	_ =	shalt  }
0x7c: {  	_ =	shalt  }
0x7d: {  	_ =	shalt  }
0x7e: {  	_ =	shalt  }
0x7f: {  	_ =	shalt  }
0x80: {  	_ =	shalt  }
0x81: {  	_ =	shalt  }
0x82: {  	_ =	shalt  }
0x83: {  	_ =	shalt  }
0x84: {  	_ =	shalt  }
0x85: {  	_ =	shalt  }
0x86: {  	_ =	shalt  }
0x87: {  	_ =	shalt  }
.Lfunc_end0:
.L_simem_size_0:
called_computation_lowered:
.L_overlay_start_0:
0x88: {  	s2 =	sld [smem:$0x3FD9]  }
0x89: {  	s3 =	sld [smem:$0x3FFE];
	_ =	sdelay $0x1  }
0x8a: {  	s1 =	srdreg.scid  }
0x8b: {  	s0 =	sand.u32 $0x1, s1  }
0x8c: {  	s18 =	sshll.u32 s0, $0xA;
	s2 =	sadd.s32 s3, s2  }
0x8d: {  	s2 =	sadd.s32 s2, s18  }
0x8e: {  	[smem:$0x3FC4] =	sst s2  }
0x8f: {  	_ = 	snop  }
0x90: {  	s2 =	sld [smem:$0x3FC8]  }
0x91: {  	s19 =	sld [smem:$0x3FC7]  }
0x92: {  	s4 =	sld [smem:$0x3FD0];
	(tm) =	ssettm $0x1  }
0x93: {  	s5 =	sld [smem:$0x3FFB];
	_ =	sdelay $0x3  }
0x94: {  	_ =	strace s5  }
0x95: {  	s5 =	sld [smem:$0x3FFC];
	_ =	sdelay $0x3  }
0x96: {  	_ =	strace s5  }
0x97: {  	s5 =	sld [smem:$0x3FFD];
	_ =	sdelay $0x3  }
0x98: {  	_ =	strace s5  }
0x99: {  	_ =	strace $0x8FFFFFFF  }
0x9a: {  	s20 =	sld [smem:$0x3FDB];
	_ =	sdelay $0x1  }
0x9b: {  	s6 =	simm.s32 $_scs_section_size  }
0x9c: {  	s7 =	simm.s32 $_size__tile_overlayer_lowered;
	s8 =	simm.s32 $_tile_overlayer_lowered  }
0x9d: {  	s23 =	simm.s32 $0x1BFF;
	s22 =	sshll.u32 s8, $0x1;
	s5 =	sadd.s32 s6, s20  }
0x9e: {  	s9 =	simm.s32 $0x0;
	s21 =	sshll.u32 s7, $0x1;
	s7 =	sadd.s32 s22, s5  }
0x9f: {  	[timem:s9], [sflag:s23] =	dma.local [hbm:s7], s21  }
0xa0: {  	_ =	swait.ge [sflag:s23], s21  }
0xa1: {  	s6 =	ssub.s32 $0x0, s21;
	[sflag:s23] =	ssyncset.done $0x0  }
0xa2: {  	[sflag:s23] =	ssyncadd.s32 s6;
	_ =	sdelay $0x1  }
0xa3: {  	s24 =	simm.s32 $0x1B8B  }
0xa4: {  	_ =	swait.ge [sflag:s24], $0x1  }
0xa5: {  	[sflag:s24] =	ssyncset.done $0x0  }
0xa6: {  	s25 =	simm.s32 $0x1B8E;
	[sflag:s24] =	ssyncadd.s32 $0xFFFFFFFF  }
0xa7: {  	s26 =	simm.s32 $execute0_lowered;
	[smem:$0x3FD2] =	sst s25  }
0xa8: {  	s6 =	sshll.u32 s26, $0x1;
	_ =	strace $0x80000046;
	[dreg:$0x1] =	wrdreg $0xFFFFFFFF  }
0xa9: {  	s28 =	simm.s32 $_size_execute0_lowered;
	s5 =	sadd.s32 s5, s6;
	[dreg:$0x0] =	wrdreg $0x0  }
0xaa: {  	s6 =	sshll.u32 s28, $0x1;
	[dreg:$0x2] =	wrdreg s5  }
0xab: {  	[dreg:$0x3] =	wrdreg s6  }
0xac: {  	[dreg:$0x4] =	wrdreg $0xC0  }
0xad: {  	_ =	task [dreg:s9], $0x5FFFF  }
0xae: {  	[dreg:$0x1] =	wrdreg $0xFFFFFFFF  }
0xaf: {  	[dreg:$0x0] =	wrdreg $0x60  }
0xb0: {  	[dreg:$0x2] =	wrdreg s2  }
0xb1: {  	[dreg:$0x3] =	wrdreg s19  }
0xb2: {  	[dreg:$0x4] =	wrdreg s4  }
0xb3: {  	[dreg:$0x5] =	wrdreg $0x9  }
0xb4: {  	_ =	task.clear_ibuf [dreg:s9], $0x6FFFF;
	_ =	strace $0x90000046  }
0xb5: {  	s29 =	simm.s32 $0x9;
	_ =	strace $0x80000048  }
0xb6: {  	_ =	swait.ge [sflag:s29], $0x1  }
0xb7: {  	[sflag:s29] =	ssyncadd.s32 $0xFFFFFFFF  }
0xb8: {  	_ =	strace $0x90000048  }
0xb9: {  	_ =	sfence  }
0xba: {  	s30 =	sld [smem:$0x0];
	_ =	sdelay $0x2  }
0xbb: {  	s31 =	sshll.u32 s1, $0xD;
	s1 =	sshrl.u32 s1, $0x2  }
0xbc: {  	s3 =	sand.u32 $0x4000, s31;
	s1 =	sadd.s32 s1, s30  }
0xbd: {  	s0 =	sor.u32 s3, s0;
	s1 =	sshll.u32 s1, $0x11  }
0xbe: {  	s0 =	sor.u32 s1, s0  }
0xbf: {  	s0 =	sadd.s32 $0x8F2B, s0  }
0xc0: {  	[sflag:s0] =	ssyncadd.remote.s32 $0x1  }
0xc1: {  	_ =	sfence.sel $0xFFFF  }
0xc2: {  	[dreg:$0x0] =	wrdreg $0xFFFFFFFF;
	(pc) =	sbr.abs _section_cstart, $3  }
0xc3: {  	[dreg:$0x1] =	wrdreg $0xFFFFFFFF  }
0xc4: {  	_ =	task.clear_ibuf [dreg:s9], $0x2FFFF;
	_ =	strace $0x9FFFFFFF  }
0xc5: {  	(tm) =	ssettm $0x7FFFFFFF  }
tec
execute0_lowered:
.L_overlay_start_1:
0x0: {  	(tag) =	ssettag $0x1  }
0x1: {  	s1 =	stileid.u32  }
0x2: {  	p0 =	sgt.u32 s1, $0x3  }
.Ltmp0:
0x3: {  	s4 =	rddreg [dreg:$0x0];
	(pc) =	sbr.rel @p0 .LBB2_4-.Ltmp0, $4  }
0x4: {  	s5 =	rddreg [dreg:$0x1]  }
0x5: {  	s7 =	rddreg [dreg:$0x2];
	s2 =	simm.s32 $0x0  }
0x6: {  	[smem:$0x7FF] =	sst s2  }
0x7: {  	s0 =	rddreg [dreg:$0x3];
	_ =	strace $0x80000047  }
0x8: {  	v0 =	vimm.f32 $0.0e+00  }
0x9: {  	s6 =	simm.s32 $0x200;
	s3 =	simm.s32 $0x1;
	[tilespmem:$0x200] =	vst v0  }
0xa: {  	[tilespmem:s6], [sflag:$0x1] =	stream.linear.gather [hbm4b:s5+s2], $0x4, $0x38;
	[tilespmem:$0x400] =	vst v63  }
0xb: {  	_ =	swait.ge [sflag:s3], $0x4  }
0xc: {  	[sflag:s3] =	ssyncset.done $0x0  }
0xd: {  	[sflag:s3] =	ssyncadd.s32 $0xFFFFFFFC  }
0xe: {  	[tilespmem:s2], [sflag:$0x1] =	stream.linear.gather [hbm4b:s4+s2], $0x200, $0x38;
	[tilespmem:$0x400] =	vst v63  }
0xf: {  	_ =	swait.ge [sflag:s3], $0x200  }
0x10: {  	[sflag:s3] =	ssyncset.done $0x0  }
0x11: {  	[sflag:s3] =	ssyncadd.s32 $0xFFFFFE00  }
0x12: {  	v1 =	vld [tilespmem:$0x0]  }
0x13: {  	v2 =	vld [tilespmem:$0x80]  }
0x14: {  	v3 =	vld [tilespmem:$0x100];
	_ =	sdelay $0x2  }
0x15: {  	v4 =	vld [tilespmem:$0x200]  }
0x16: {  	v2 =	vadd.f32 v2, v2  }
0x17: {  	v5 =	vld [tilespmem:$0x180];
	(xrf0) =	vmax.scan.msk.f32 $0xffff, v1;
	v3 =	vmul.f32 $3.000000000e+00, v3  }
0x18: {  	(xrf0) =	vmax.scan.msk.f32 $0xffff, v2  }
0x19: {  	vm0 =	vmmov $0xf;
	(xrf0) =	vmax.scan.msk.f32 $0xffff, v3  }
0x1a: {  	v6 =	vnsel vm0, $0xF149F2CA, v4;
	_ =	sdelay $0x1  }
0x1b: {  	v5 =	vmul.f32 $4.000000000e+00, v5;
	(xrf0) =	vmax.scan.msk.f32 $0xffff, v6  }
0x1c: {  	v6, _, _ =	vpop (xrf0)  }
0x1d: {  	(xrf0) =	vmax.scan.msk.f32 $0xffff, v5;
	v6 =	vbroadcast v6, $0xF;
	v7, _, _ =	vpop (xrf0)  }
0x1e: {  	v7 =	vbroadcast v7, $0xF;
	v8, _, _ =	vpop (xrf0)  }
0x1f: {  	v1 =	vsub.f32 v1, v6;
	v6 =	vbroadcast v8, $0xF  }
0x20: {  	v2 =	vsub.f32 v2, v7  }
0x21: {  	v60, _, _ =	vpop (xrf0);
	v1 =	vmul.f32 $1.442695020e+00, v1;
	v3 =	vsub.f32 v3, v6  }
0x22: {  	v8 =	vbroadcast v60, $0xF;
	v2 =	vmul.f32 $1.442695020e+00, v2  }
0x23: {  	v7, _, _ =	vpop (xrf0);
	(erf) = vpow2.f32 v1;
	v1 =	vmul.f32 $1.442695020e+00, v3  }
0x24: {  	v4 =	vsub.f32 v4, v8;
	v6 =	vbroadcast v7, $0xF;
	(erf) = vpow2.f32 v2  }
0x25: {  	(erf) = vpow2.f32 v1  }
0x26: {  	v3 =	vmul.f32 $1.442695020e+00, v4;
	v2 =	vsub.f32 v5, v6;
	_ =	sdelay $0x1  }
0x27: {  	(erf) = vpow2.f32 v3;
	v1 =	vmul.f32 $1.442695020e+00, v2;
	_ =	sdelay $0x1  }
0x28: {  	(erf) = vpow2.f32 v1;
	_ =	sdelay $0x1  }
0x29: {  	v1 =	vpop (erf)  }
0x2a: {  	(xrf2) =	vadd.scan.msk.f32 $0xffff, v1;
	v2 =	vpop (erf)  }
0x2b: {  	v3 =	vpop (erf);
	(xrf2) =	vadd.scan.msk.f32 $0xffff, v2  }
0x2c: {  	(xrf2) =	vadd.scan.msk.f32 $0xffff, v3;
	_ =	sdelay $0x1  }
0x2d: {  	v4 =	vpop (erf)  }
0x2e: {  	v4 =	vnsel vm0, $0x0, v4  }
0x2f: {  	(xrf2) =	vadd.scan.msk.f32 $0xffff, v4;
	v5 =	vpop (erf)  }
0x30: {  	(xrf2) =	vadd.scan.msk.f32 $0xffff, v5;
	_ =	sdelay $0x2  }
0x31: {  	v6, _, _ =	vpop (xrf2)  }
0x32: {  	v6 =	vbroadcast v6, $0xF;
	v7, _, _ =	vpop (xrf2)  }
0x33: {  	v61, _, _ =	vpop (xrf2)  }
0x34: {  	(erf) = vrcp.f32 v6;
	v6 =	vbroadcast v61, $0xF  }
0x35: {  	v7 =	vbroadcast v7, $0xF;
	_ =	sdelay $0x1  }
0x36: {  	v62, _, _ =	vpop (xrf2);
	(erf) = vrcp.f32 v7  }
0x37: {  	(erf) = vrcp.f32 v6;
	v6, _, _ =	vpop (xrf2)  }
0x38: {  	v6 =	vbroadcast v6, $0xF  }
0x39: {  	v7 =	vbroadcast v62, $0xF;
	_ =	sdelay $0x1  }
0x3a: {  	(erf) = vrcp.f32 v7  }
0x3b: {  	(erf) = vrcp.f32 v6;
	v6 =	vpop (erf)  }
0x3c: {  	v6 =	vmul.f32 v6, v1  }
0x3d: {  	v1 =	vlaneseq.u32  }
0x3e: {  	s8 =	srdreg.scid;
	(xrf1) =	vsort.dscd.msk.f32 $0xffff, v6, v1  }
0x3f: {  	s8 =	sand.u32 $0x1, s8;
	v7 =	vpop (erf)  }
0x40: {  	s9 =	ssub.s32 $0x2, s8;
	v63 =	vpop (erf);
	v2 =	vmul.f32 v7, v2  }
0x41: {  	s11 =	sshrl.u32 s9, $0x1;
	v3 =	vmul.f32 v63, v3  }
0x42: {  	s9 =	ssub.s32 s9, s11;
	(xrf1) =	vsort.dscd.msk.f32 $0xffff, v2, v1  }
0x43: {  	s11 =	smax.u32 s9, $0x1;
	(xrf1) =	vsort.dscd.msk.f32 $0xffff, v3, v1  }
0x44: {  	p0 =	sne.s32 s11, $0x1;
	v7 =	vpop (erf)  }
.Ltmp1:
0x45: {  	v6 =	vmul.f32 v7, v4;
	(pc) =	sbr.rel @!p0 .LBB2_3-.Ltmp1, $4  }
0x46: {  	s10 =	sshll.u32 s1, $0x1;
	vm1 =	vmmov $0x1;
	v4 =	vpop (erf)  }
0x47: {  	vm2 =	vcmask $0x308;
	s8 =	sor.u32 s8, s10;
	v3 =	vnsel vm1, $0x0, v6;
	v7 =	vmul.f32 v4, v5  }
0x48: {  	vm3 =	vcmask $0x70C;
	vm4 =	vcmask $0xB10;
	s10 =	simm.s32 $0x300;
	s9 =	simm.s32 $0x280;
	v2 =	vmov s8;
	s8 =	sshll.u32 s8, $0x4;
	(xrf2) =	vadd.scan.msk.f32 $0xffff, v3  }
0x49: {  	s11 =	sadd.s32 $0xFFFFFFFF, s11;
	s7 =	sadd.s32 s7, s8;
	s8 =	simm.s32 $0x380;
	v5 =	vsel vm2, $0x0, v6;
	v4 =	vsel vm3, $0x0, v6;
	v3 =	vsel vm4, $0x0, v6;
	(xrf1) =	vsort.dscd.msk.f32 $0xffff, v7, v1  }
.LBB2_2:
0x4a: {  	_ = 	snop  }
0x4b: {  	p0 =	sne.s32 s11, $0x1;
	s11 =	sadd.s32 $0xFFFFFFFF, s11;
	(xrf2) =	vadd.scan.msk.f32 $0xffff, v5  }
0x4c: {  	v5, v6, _ =	vpop (xrf1)  }
0x4d: {  	[tilespmem:$0x300] =	vst v5  }
0x4e: {  	[tilespmem:$0x280] =	vst v6;
	(xrf2) =	vadd.scan.msk.f32 $0xffff, v4  }
0x4f: {  	v4 =	vld.idx.msk [tilespmem:v2+s9+$0x0], $0xffff  }
0x50: {  	v5 =	vld.idx.msk [tilespmem:v2+s10+$0x0], $0xffff;
	v6, v7, _ =	vpop (xrf1)  }
0x51: {  	[tilespmem:$0x280] =	vst v7;
	v7, v8, _ =	vpop (xrf1);
	(xrf2) =	vadd.scan.msk.f32 $0xffff, v3  }
0x52: {  	[tilespmem:$0x300] =	vst v6;
	v3, _, _ =	vpop (xrf2)  }
0x53: {  	v6 =	vld.idx.msk [tilespmem:v2+s9+$0x0], $0xffff  }
0x54: {  	v3 =	vbroadcast v3, $0xF;
	v9 =	vld.idx.msk [tilespmem:v2+s10+$0x0], $0xffff  }
0x55: {  	vm5 =	veq.s32 v4, v1;
	[tilespmem:$0x280] =	vst v8;
	v4, _, _ =	vpop (xrf2)  }
0x56: {  	v3 =	vmul.f32 v3, v5;
	[tilespmem:$0x300] =	vst v7  }
0x57: {  	v5 =	vsel vm5, $0x3F800000, v0;
	v7 =	vld.idx.msk [tilespmem:v2+s9+$0x0], $0xffff;
	v8, v10, _ =	vpop (xrf1)  }
0x58: {  	v4 =	vbroadcast v4, $0xF;
	v3 =	vmul.f32 v3, v5;
	v5 =	vld.idx.msk [tilespmem:v2+s10+$0x0], $0xffff;
	v11, _, _ =	vpop (xrf2)  }
0x59: {  	vm5 =	veq.s32 v6, v1;
	[tilespmem:$0x280] =	vst v10  }
0x5a: {  	v6 =	vsel vm5, $0x3F800000, v0;
	v4 =	vmul.f32 v4, v9;
	[tilespmem:$0x300] =	vst v8  }
0x5b: {  	v8 =	vld.idx.msk [tilespmem:v2+s9+$0x0], $0xffff;
	v9, _, _ =	vpop (xrf2)  }
0x5c: {  	v4 =	vmul.f32 v4, v6;
	v6 =	vbroadcast v11, $0xF;
	v10 =	vld.idx.msk [tilespmem:v2+s10+$0x0], $0xffff  }
0x5d: {  	vm5 =	veq.s32 v7, v1  }
0x5e: {  	v5 =	vmul.f32 v6, v5  }
0x5f: {  	v3 =	vadd.f32 $0.0e+00, v3;
	v7 =	vbroadcast v9, $0xF;
	v6 =	vsel vm5, $0x3F800000, v0  }
0x60: {  	v5 =	vmul.f32 v5, v6  }
0x61: {  	v3 =	vadd.f32 v3, v4;
	vm5 =	veq.s32 v8, v1  }
0x62: {  	v4 =	vsel vm5, $0x3F800000, v0;
	v6 =	vmul.f32 v10, v7  }
0x63: {  	v3 =	vadd.f32 v3, v5  }
0x64: {  	v4 =	vmul.f32 v4, v6;
	_ =	sdelay $0x1  }
0x65: {  	v3 =	vadd.f32 v4, v3;
	_ =	sdelay $0x1  }
0x66: {  	[tilespmem:$0x380] =	vst v3  }
0x67: {  	[hbm4b:s7+s2] =	stream.linear.scatter [tilespmem:s8], [sflag:$0x1], $0x80, $0x38;
	[tilespmem:$0x400] =	vst v63  }
0x68: {  	_ =	swait.ge [sflag:s3], $0x80  }
0x69: {  	[sflag:s3] =	ssyncset.done $0x0  }
0x6a: {  	[sflag:s3] =	ssyncadd.s32 $0xFFFFFF80  }
0x6b: {  	[tilespmem:$0x200] =	vst v0  }
0x6c: {  	[tilespmem:s6], [sflag:$0x1] =	stream.linear.gather [hbm4b:s5+s2], $0x4, $0x38;
	[tilespmem:$0x400] =	vst v63  }
0x6d: {  	_ =	swait.ge [sflag:s3], $0x4  }
0x6e: {  	[sflag:s3] =	ssyncset.done $0x0  }
0x6f: {  	[sflag:s3] =	ssyncadd.s32 $0xFFFFFFFC  }
0x70: {  	[tilespmem:s2], [sflag:$0x1] =	stream.linear.gather [hbm4b:s4+s2], $0x200, $0x38;
	[tilespmem:$0x400] =	vst v63  }
0x71: {  	_ =	swait.ge [sflag:s3], $0x200  }
0x72: {  	[sflag:s3] =	ssyncset.done $0x0  }
0x73: {  	[sflag:s3] =	ssyncadd.s32 $0xFFFFFE00  }
0x74: {  	v3 =	vld [tilespmem:$0x0]  }
0x75: {  	v4 =	vld [tilespmem:$0x80]  }
0x76: {  	v5 =	vld [tilespmem:$0x100]  }
0x77: {  	v6 =	vld [tilespmem:$0x200]  }
0x78: {  	v7 =	vld [tilespmem:$0x180]  }
0x79: {  	(xrf0) =	vmax.scan.msk.f32 $0xffff, v3  }
0x7a: {  	v4 =	vadd.f32 v4, v4  }
0x7b: {  	v5 =	vmul.f32 $3.000000000e+00, v5  }
0x7c: {  	v8 =	vnsel vm0, $0xF149F2CA, v6;
	(xrf0) =	vmax.scan.msk.f32 $0xffff, v4  }
0x7d: {  	v7 =	vmul.f32 $4.000000000e+00, v7;
	(xrf0) =	vmax.scan.msk.f32 $0xffff, v5  }
0x7e: {  	(xrf0) =	vmax.scan.msk.f32 $0xffff, v8  }
0x7f: {  	v8, _, _ =	vpop (xrf0);
	(xrf0) =	vmax.scan.msk.f32 $0xffff, v7  }
0x80: {  	v10 =	vbroadcast v8, $0xF;
	_ =	sdelay $0x1  }
0x81: {  	v3 =	vsub.f32 v3, v10;
	v8, _, _ =	vpop (xrf0)  }
0x82: {  	v11 =	vbroadcast v8, $0xF;
	v9, _, _ =	vpop (xrf0)  }
0x83: {  	v3 =	vmul.f32 $1.442695020e+00, v3;
	v9 =	vbroadcast v9, $0xF;
	v10, _, _ =	vpop (xrf0)  }
0x84: {  	v10 =	vbroadcast v10, $0xF;
	v4 =	vsub.f32 v4, v11;
	v8, _, _ =	vpop (xrf0)  }
0x85: {  	v5 =	vsub.f32 v5, v9;
	v8 =	vbroadcast v8, $0xF;
	(erf) = vpow2.f32 v3  }
0x86: {  	v3 =	vsub.f32 v6, v10;
	v4 =	vmul.f32 $1.442695020e+00, v4  }
0x87: {  	v5 =	vmul.f32 $1.442695020e+00, v5;
	v6 =	vsub.f32 v7, v8  }
0x88: {  	v3 =	vmul.f32 $1.442695020e+00, v3;
	(erf) = vpow2.f32 v4  }
0x89: {  	v4 =	vmul.f32 $1.442695020e+00, v6;
	(erf) = vpow2.f32 v5  }
0x8a: {  	(erf) = vpow2.f32 v3  }
0x8b: {  	(erf) = vpow2.f32 v4;
	_ =	sdelay $0x2  }
0x8c: {  	v3 =	vpop (erf)  }
0x8d: {  	(xrf2) =	vadd.scan.msk.f32 $0xffff, v3;
	_ =	sdelay $0x1  }
0x8e: {  	v4 =	vpop (erf)  }
0x8f: {  	(xrf2) =	vadd.scan.msk.f32 $0xffff, v4;
	v5 =	vpop (erf)  }
0x90: {  	v6 =	vpop (erf)  }
0x91: {  	v6 =	vnsel vm0, $0x0, v6;
	v7 =	vpop (erf)  }
0x92: {  	(xrf2) =	vadd.scan.msk.f32 $0xffff, v5;
	_ =	sdelay $0x2  }
0x93: {  	(xrf2) =	vadd.scan.msk.f32 $0xffff, v6  }
0x94: {  	v8, _, _ =	vpop (xrf2);
	_ =	sdelay $0x1  }
0x95: {  	v8 =	vbroadcast v8, $0xF;
	(xrf2) =	vadd.scan.msk.f32 $0xffff, v7  }
0x96: {  	v9, _, _ =	vpop (xrf2)  }
0x97: {  	v9 =	vbroadcast v9, $0xF;
	(erf) = vrcp.f32 v8;
	_ =	sdelay $0x1  }
0x98: {  	(erf) = vrcp.f32 v9;
	v8, _, _ =	vpop (xrf2)  }
0x99: {  	v8 =	vbroadcast v8, $0xF;
	_ =	sdelay $0x1  }
0x9a: {  	v9, _, _ =	vpop (xrf2);
	(erf) = vrcp.f32 v8  }
0x9b: {  	v10 =	vbroadcast v9, $0xF;
	_ =	sdelay $0x1  }
0x9c: {  	(erf) = vrcp.f32 v10;
	v8, _, _ =	vpop (xrf2)  }
0x9d: {  	v8 =	vbroadcast v8, $0xF;
	v9 =	vpop (erf)  }
0x9e: {  	v3 =	vmul.f32 v9, v3  }
0x9f: {  	v9 =	vpop (erf);
	(erf) = vrcp.f32 v8  }
0xa0: {  	v4 =	vmul.f32 v9, v4;
	(xrf1) =	vsort.dscd.msk.f32 $0xffff, v3, v1;
	_ =	sdelay $0x1  }
0xa1: {  	v3 =	vpop (erf)  }
0xa2: {  	v3 =	vmul.f32 v3, v5  }
0xa3: {  	(xrf1) =	vsort.dscd.msk.f32 $0xffff, v4, v1  }
0xa4: {  	v4 =	vpop (erf);
	(xrf1) =	vsort.dscd.msk.f32 $0xffff, v3, v1  }
0xa5: {  	v3 =	vmul.f32 v4, v6  }
.Ltmp2:
0xa6: {  	(pc) =	sbr.rel @p0 .LBB2_2-.Ltmp2, $4  }
0xa7: {  	v6 =	vnsel vm1, $0x0, v3;
	v5 =	vsel vm2, $0x0, v3;
	v4 =	vsel vm3, $0x0, v3;
	v8 =	vpop (erf)  }
0xa8: {  	v3 =	vsel vm4, $0x0, v3;
	v7 =	vmul.f32 v8, v7  }
0xa9: {  	(xrf2) =	vadd.scan.msk.f32 $0xffff, v6  }
0xaa: {  	(xrf1) =	vsort.dscd.msk.f32 $0xffff, v7, v1  }
.LBB2_3:
0xab: {  	_ =	sdelay $0x3  }
0xac: {  	(xrf2) =	vadd.scan.msk.f32 $0xffff, v5;
	v6, v7, _ =	vpop (xrf1)  }
0xad: {  	[tilespmem:$0x300] =	vst v6  }
0xae: {  	(xrf2) =	vadd.scan.msk.f32 $0xffff, v4;
	[tilespmem:$0x280] =	vst v7  }
0xaf: {  	(xrf2) =	vadd.scan.msk.f32 $0xffff, v3;
	v43 =	vld.idx.msk [tilespmem:v2+s9+$0x0], $0xffff;
	v44, v8, _ =	vpop (xrf1)  }
0xb0: {  	v6 =	vld.idx.msk [tilespmem:v2+s10+$0x0], $0xffff;
	[tilespmem:$0x280] =	vst v8  }
0xb1: {  	[tilespmem:$0x300] =	vst v44  }
0xb2: {  	v47, v46, _ =	vpop (xrf1);
	v45 =	vld.idx.msk [tilespmem:v2+s9+$0x0], $0xffff  }
0xb3: {  	v48 =	vld.idx.msk [tilespmem:v2+s10+$0x0], $0xffff;
	[tilespmem:$0x280] =	vst v46  }
0xb4: {  	[tilespmem:$0x300] =	vst v47;
	v49, _, _ =	vpop (xrf2)  }
0xb5: {  	v8 =	vld.idx.msk [tilespmem:v2+s9+$0x0], $0xffff;
	v9, v10, _ =	vpop (xrf1)  }
0xb6: {  	v11 =	vld.idx.msk [tilespmem:v2+s10+$0x0], $0xffff;
	v7 =	vbroadcast v49, $0xF;
	v50, _, _ =	vpop (xrf2);
	[tilespmem:$0x280] =	vst v10  }
0xb7: {  	v51 =	vbroadcast v50, $0xF;
	[tilespmem:$0x300] =	vst v9  }
0xb8: {  	vm0 =	veq.s32 v43, v1;
	v6 =	vmul.f32 v7, v6;
	v53, _, _ =	vpop (xrf2);
	v54 =	vld.idx.msk [tilespmem:v2+s9+$0x0], $0xffff  }
0xb9: {  	v52 =	vsel vm0, $0x3F800000, v0;
	v55 =	vbroadcast v53, $0xF;
	v59, _, _ =	vpop (xrf2);
	v3 =	vmul.f32 v51, v48;
	v56 =	vld.idx.msk [tilespmem:v2+s10+$0x0], $0xffff  }
0xba: {  	vm13 =	veq.s32 v45, v1;
	v57 =	vmul.f32 v6, v52;
	v7 =	vbroadcast v59, $0xF  }
0xbb: {  	v58 =	vsel vm13, $0x3F800000, v0;
	vm14 =	veq.s32 v8, v1;
	v4 =	vmul.f32 v55, v11  }
0xbc: {  	v3 =	vmul.f32 v3, v58;
	v5 =	vadd.f32 $0.0e+00, v57;
	v60 =	vsel vm14, $0x3F800000, v0  }
0xbd: {  	v4 =	vmul.f32 v4, v60  }
0xbe: {  	v3 =	vadd.f32 v5, v3;
	vm15 =	veq.s32 v54, v1;
	v61 =	vmul.f32 v56, v7  }
0xbf: {  	v62 =	vsel vm15, $0x3F800000, v0  }
0xc0: {  	v63 =	vadd.f32 v3, v4;
	v0 =	vmul.f32 v62, v61;
	_ =	sdelay $0x1  }
0xc1: {  	v0 =	vadd.f32 v0, v63;
	_ =	sdelay $0x1  }
0xc2: {  	[tilespmem:$0x380] =	vst v0  }
0xc3: {  	[hbm4b:s7+s2] =	stream.linear.scatter [tilespmem:s8], [sflag:$0x1], $0x80, $0x38;
	[tilespmem:$0x400] =	vst v63  }
0xc4: {  	_ =	swait.ge [sflag:s3], $0x80  }
0xc5: {  	[sflag:s3] =	ssyncset.done $0x0  }
0xc6: {  	[sflag:s3] =	ssyncadd.s32 $0xFFFFFF80  }
.LBB2_4:
0xc7: {  	_ =	sfence.sel $0x180000  }
0xc8: {  	[bflag:$0x0] =	sbarrier.arrive $0xFFFF  }
0xc9: {  	p0 =	sne.s32 s1, $0x0;
	_ =	strace $0x90000047  }
0xca: {  	s0 =	sadd.s32 @!p0 $0x100000, s0;
	[bflag:$0x2] =	sbarrier.arrive $0xFFFF  }
0xcb: {  	[sflag:s0] =	ssyncadd.tile.s32 @!p0 $0x1;
	_ =	shalt  }
.Lfunc_end2:
_tile_overlayer_lowered:
.L_overlay_start_2:
0xcc: {  	(tag) =	ssettag $0x2  }
0xcd: {  	s0 =	rddreg [dreg:$0x0];
	s2 =	stileid.u32  }
0xce: {  	s1 =	rddreg [dreg:$0x1];
	p0 =	sne.s32 s2, $0x0  }
0xcf: {  	s3 =	rddreg [dreg:$0x2];
	[bflag:$0x3] =	sbarrier.arrive $0xFFFF;
	s2 =	simm.s32 @!p0 $0x1C01  }
0xd0: {  	[timem:s3], [sflag:s2] =	dma.local @!p0 [hbm:s0], s1  }
0xd1: {  	s0 =	simm.s32 @!p0 $0x1  }
0xd2: {  	_ =	swait.ge @!p0 [sflag:s0], s1  }
0xd3: {  	s1 =	ssub.s32 @!p0 $0x0, s1;
	[sflag:s0] =	ssyncset.done @!p0 $0x0  }
0xd4: {  	[sflag:s0] =	ssyncadd.s32 @!p0 s1  }
0xd5: {  	[bflag:$0x3] =	sbarrier.arrive $0xFFFF  }
0xd6: {  	_ =	shalt  }

</sc_bundles>
